<compile_context>
chip_gen: v7x
topology: tpu7x:2x2x1
jax: 0.10.2.dev20260603
libtpu: 0.0.44.dev20260713+nightly
codegen_flags: <defaults>
</compile_context>

<pallas_src>
import functools

import jax
import jax.numpy as jnp
from jax import lax
from jax.experimental import pallas as pl
from jax.experimental.pallas import tpu as pltpu
from jax.experimental.pallas import tpu_sc as plsc

B = 16384
D = 32
V = 1000000
VCHUNK = 62464
VMAIN = 16 * VCHUNK
VTAIL = 640
IDXCHUNK = 128


@functools.cache
def _build():
    info = plsc.get_sparse_core_info()
    nc, ns = info.num_cores, info.num_subcores
    bt = B // ns
    rounds = D // nc

    mesh = plsc.VectorSubcoreMesh(core_axis_name="c", subcore_axis_name="s")

    @functools.partial(
        pl.kernel,
        out_type=(
            jax.ShapeDtypeStruct((D, B), jnp.float32),
            jax.ShapeDtypeStruct((D, B), jnp.float32),
        ),
        mesh=mesh,
        scratch_types=[
            pltpu.VMEM((bt,), jnp.int32),
            pltpu.VMEM((bt,), jnp.int32),
            pltpu.VMEM((bt,), jnp.float32),
            pltpu.VMEM((bt,), jnp.float32),
            pltpu.VMEM_SHARED((VMAIN + VTAIL,), jnp.float32),
            pltpu.VMEM_SHARED((VMAIN + VTAIL,), jnp.float32),
            pltpu.SemaphoreType.DMA,
            pltpu.SemaphoreType.DMA,
            pltpu.SemaphoreType.DMA,
        ],
    )
    def sc_gather(user_hbm, item_hbm, utabT_hbm, itabT_hbm,
                  utailT_hbm, itailT_hbm, uoutT_hbm, ioutT_hbm,
                  uids, iids, uvals, ivals, ushared, ishared,
                  usem, isem, gsem):
        c = lax.axis_index("c")
        s = lax.axis_index("s")
        bbase = s * bt
        pltpu.sync_copy(user_hbm.at[pl.ds(bbase, bt)], uids)
        pltpu.sync_copy(item_hbm.at[pl.ds(bbase, bt)], iids)

        vbase = s * VCHUNK

        NSUB = 4
        SUB = VCHUNK // NSUB

        def fire_stage(tabT_hbm, tailT_hbm, shared, d, sem):
            for q in range(NSUB):
                sl = pl.ds(vbase + q * SUB, SUB)
                pltpu.async_copy(tabT_hbm.at[d].at[sl], shared.at[sl], sem)

            @pl.when(s == ns - 1)
            def _():
                pltpu.async_copy(tailT_hbm.at[d],
                                 shared.at[pl.ds(VMAIN, VTAIL)], sem)

        def drain_stage(tabT_hbm, tailT_hbm, shared, d, sem):
            for q in range(NSUB):
                sl = pl.ds(vbase + q * SUB, SUB)
                pltpu.make_async_copy(tabT_hbm.at[d].at[sl],
                                      shared.at[sl], sem).wait()

            @pl.when(s == ns - 1)
            def _():
                pltpu.make_async_copy(tailT_hbm.at[d],
                                      shared.at[pl.ds(VMAIN, VTAIL)], sem).wait()

        def gather_out(shared, ids, vals, outT_hbm, d):
            copies = []
            for k in range(bt // IDXCHUNK):
                sl = pl.ds(k * IDXCHUNK, IDXCHUNK)
                copies.append(pltpu.async_copy(
                    shared.at[ids.at[sl]], vals.at[sl], gsem))
            for cp in copies:
                cp.wait()
            pltpu.sync_copy(vals, outT_hbm.at[d].at[pl.ds(bbase, bt)])

        fire_stage(utabT_hbm, utailT_hbm, ushared, c * rounds, usem)

        def round_body(r, carry):
            d = c * rounds + r
            drain_stage(utabT_hbm, utailT_hbm, ushared, d, usem)
            plsc.subcore_barrier()
            fire_stage(itabT_hbm, itailT_hbm, ishared, d, isem)
            gather_out(ushared, uids, uvals, uoutT_hbm, d)
            drain_stage(itabT_hbm, itailT_hbm, ishared, d, isem)
            plsc.subcore_barrier()

            @pl.when(r < rounds - 1)
            def _():
                fire_stage(utabT_hbm, utailT_hbm, ushared, d + 1, usem)

            gather_out(ishared, iids, ivals, ioutT_hbm, d)
            return carry

        lax.fori_loop(0, rounds, round_body, 0)

    def run(user, item, user_table, item_table):
        utail = jnp.pad(user_table[16 * VCHUNK:, :], ((0, VTAIL - (V - 16 * VCHUNK)), (0, 0)))
        itail = jnp.pad(item_table[16 * VCHUNK:, :], ((0, VTAIL - (V - 16 * VCHUNK)), (0, 0)))
        uoT, ioT = sc_gather(user, item, user_table.T, item_table.T,
                             utail.T, itail.T)
        return uoT.T, ioT.T

    return run


def kernel(user, item, user_table, item_table):
    return _build()(user, item, user_table, item_table)

# --- scband reference (transcript-rebuilt; emitter-appended) ---
"""Pipeline reference for scband-light-gcn-90469191123294 (READ-ONLY COPY).

The authoritative reference and input builder live on the scoring server;
editing this copy changes nothing except your own understanding.
"""

import jax, jax.numpy as jnp
import numpy as np

NUM_USERS = 1000000
NUM_ITEMS = 1000000
EMBED_DIM = 32
BATCH = 16384

def _xavier_uniform(key, shape):
    fan_in, fan_out = shape[0], shape[1]
    a = float(np.sqrt(6.0 / (fan_in + fan_out)))
    return jax.random.uniform(key, shape, dtype=jnp.float32, minval=-a, maxval=a)

def setup_inputs(seed: int = 0) -> dict:
    key = jax.random.key(seed)
    k1, k2, k3, k4 = jax.random.split(key, 4)
    user = jax.random.randint(k1, (BATCH,), 0, NUM_USERS, dtype=jnp.int64 if jax.config.jax_enable_x64 else jnp.int32)
    item = jax.random.randint(k2, (BATCH,), 0, NUM_ITEMS, dtype=jnp.int64 if jax.config.jax_enable_x64 else jnp.int32)
    user_table = _xavier_uniform(k3, (NUM_USERS, EMBED_DIM))
    item_table = _xavier_uniform(k4, (NUM_ITEMS, EMBED_DIM))
    return {"user": user, "item": item, "user_table": user_table, "item_table": item_table}

def reference(user, item, user_table, item_table):
    # LightGCN.forward in eval mode (dropout is identity at inference):
    # embedding lookups for user and item ids.
    user_embeddings = jnp.take(user_table, user, axis=0)
    item_embeddings = jnp.take(item_table, item, axis=0)
    return (user_embeddings, item_embeddings)

if __name__ == "__main__":
    import jax
    _d = setup_inputs()
    print(jax.jit(kernel)(*tuple(_d.values())))

</pallas_src>

<mosaic_0001>
#map = affine_map<(d0, d1) -> (0)>
#map1 = affine_map<(d0, d1) -> (0, 0)>
module attributes {stable_mosaic.version = 14 : i64} {
  func.func @sc_gather(%arg0: i32, %arg1: i32, %arg2: memref<16384xi32, #tpu.memory_space<hbm>>, %arg3: memref<16384xi32, #tpu.memory_space<hbm>>, %arg4: memref<32x1000000xf32, #tpu.memory_space<hbm>>, %arg5: memref<32x1000000xf32, #tpu.memory_space<hbm>>, %arg6: memref<32x640xf32, #tpu.memory_space<hbm>>, %arg7: memref<32x640xf32, #tpu.memory_space<hbm>>, %arg8: memref<32x16384xf32, #tpu.memory_space<hbm>>, %arg9: memref<32x16384xf32, #tpu.memory_space<hbm>>, %arg10: memref<1024xi32, #tpu.memory_space<vmem>>, %arg11: memref<1024xi32, #tpu.memory_space<vmem>>, %arg12: memref<1024xf32, #tpu.memory_space<vmem>>, %arg13: memref<1024xf32, #tpu.memory_space<vmem>>, %arg14: memref<1000064xf32, #tpu.memory_space<vmem_shared>>, %arg15: memref<1000064xf32, #tpu.memory_space<vmem_shared>>, %arg16: memref<!tpu.dma_semaphore, #tpu.memory_space<semaphore_mem>>, %arg17: memref<!tpu.dma_semaphore, #tpu.memory_space<semaphore_mem>>, %arg18: memref<!tpu.dma_semaphore, #tpu.memory_space<semaphore_mem>>) attributes {dimension_semantics = [#tpu.dimension_semantics<core_parallel>, #tpu.dimension_semantics<subcore_parallel>], iteration_bounds = array<i64: 2, 16>, scalar_prefetch = 0 : i64, scratch_operands = 9 : i64, tpu.core_type = #tpu.core_type<sc_vector_subcore>, window_params = [{transform_indices = #map}, {transform_indices = #map}, {transform_indices = #map1}, {transform_indices = #map1}, {transform_indices = #map1}, {transform_indices = #map1}, {transform_indices = #map1}, {transform_indices = #map1}]} {
    %mul3A = arith.constant 1024 : i32
    %mul3A_0 = arith.muli %arg1, %mul3A : i32
    "tpu.region"() ({
      %run_scoped3A = tpu.sem_alloc : memref<!tpu.dma_semaphore, #tpu.memory_space<semaphore_mem>>
      %dma_start3A_38 = tpu.memref_slice %arg2[%mul3A_0] : memref<16384xi32, #tpu.memory_space<hbm>> -> memref<1024xi32, #tpu.memory_space<hbm>>
      %dma_start3A_39 = tpu.memref_slice %arg2[%mul3A_0] : memref<16384xi32, #tpu.memory_space<hbm>> -> memref<1024xi32, #tpu.memory_space<hbm>>
      tpu.enqueue_dma source(%dma_start3A_39 : memref<1024xi32, #tpu.memory_space<hbm>>) target(%arg10 : memref<1024xi32, #tpu.memory_space<vmem>>) target_semaphore(%run_scoped3A : memref<!tpu.dma_semaphore, #tpu.memory_space<semaphore_mem>>)
      %dma_wait3A = tpu.memref_slice %arg2[%mul3A_0] : memref<16384xi32, #tpu.memory_space<hbm>> -> memref<1024xi32, #tpu.memory_space<hbm>>
      %dma_wait3A_40 = tpu.memref_slice %arg2[%mul3A_0] : memref<16384xi32, #tpu.memory_space<hbm>> -> memref<1024xi32, #tpu.memory_space<hbm>>
      tpu.wait_dma2 semaphore(%run_scoped3A : memref<!tpu.dma_semaphore, #tpu.memory_space<semaphore_mem>>) src(%dma_wait3A_40 : memref<1024xi32, #tpu.memory_space<hbm>>) dst(%arg10 : memref<1024xi32, #tpu.memory_space<vmem>>)
      tpu.yield
    }) : () -> ()
    "tpu.region"() ({
      %run_scoped3A = tpu.sem_alloc : memref<!tpu.dma_semaphore, #tpu.memory_space<semaphore_mem>>
      %dma_start3A_38 = tpu.memref_slice %arg3[%mul3A_0] : memref<16384xi32, #tpu.memory_space<hbm>> -> memref<1024xi32, #tpu.memory_space<hbm>>
      %dma_start3A_39 = tpu.memref_slice %arg3[%mul3A_0] : memref<16384xi32, #tpu.memory_space<hbm>> -> memref<1024xi32, #tpu.memory_space<hbm>>
      tpu.enqueue_dma source(%dma_start3A_39 : memref<1024xi32, #tpu.memory_space<hbm>>) target(%arg11 : memref<1024xi32, #tpu.memory_space<vmem>>) target_semaphore(%run_scoped3A : memref<!tpu.dma_semaphore, #tpu.memory_space<semaphore_mem>>)
      %dma_wait3A = tpu.memref_slice %arg3[%mul3A_0] : memref<16384xi32, #tpu.memory_space<hbm>> -> memref<1024xi32, #tpu.memory_space<hbm>>
      %dma_wait3A_40 = tpu.memref_slice %arg3[%mul3A_0] : memref<16384xi32, #tpu.memory_space<hbm>> -> memref<1024xi32, #tpu.memory_space<hbm>>
      tpu.wait_dma2 semaphore(%run_scoped3A : memref<!tpu.dma_semaphore, #tpu.memory_space<semaphore_mem>>) src(%dma_wait3A_40 : memref<1024xi32, #tpu.memory_space<hbm>>) dst(%arg11 : memref<1024xi32, #tpu.memory_space<vmem>>)
      tpu.yield
    }) : () -> ()
    %mul3A_1 = arith.constant 62464 : i32
    %mul3A_2 = arith.muli %arg1, %mul3A_1 : i32
    %mul3A_3 = arith.constant 16 : i32
    %mul3A_4 = arith.muli %arg0, %mul3A_3 : i32
    %add3A = arith.constant 0 : i32
    %add3A_5 = arith.addi %mul3A_2, %add3A : i32
    %dma_start3A = tpu.memref_slice %arg14[%add3A_5] : memref<1000064xf32, #tpu.memory_space<vmem_shared>> -> memref<15616xf32, #tpu.memory_space<vmem_shared>>
    %dma_start3A_6 = arith.constant 0 : i32
    %dma_start3A_7 = tpu.memref_slice %arg4[%mul3A_4, %dma_start3A_6] : memref<32x1000000xf32, #tpu.memory_space<hbm>> -> memref<1x1000000xf32, #tpu.memory_space<hbm>>
    %dma_start3A_8 = tpu.memref_squeeze %dma_start3A_7 : memref<1x1000000xf32, #tpu.memory_space<hbm>> -> memref<1000000xf32, #tpu.memory_space<hbm>>
    %dma_start3A_9 = tpu.memref_slice %dma_start3A_8[%add3A_5] : memref<1000000xf32, #tpu.memory_space<hbm>> -> memref<15616xf32, #tpu.memory_space<hbm>>
    tpu.enqueue_dma source(%dma_start3A_9 : memref<15616xf32, #tpu.memory_space<hbm>>) target(%dma_start3A : memref<15616xf32, #tpu.memory_space<vmem_shared>>) target_semaphore(%arg16 : memref<!tpu.dma_semaphore, #tpu.memory_space<semaphore_mem>>)
    %add3A_10 = arith.constant 15616 : i32
    %add3A_11 = arith.addi %mul3A_2, %add3A_10 : i32
    %dma_start3A_12 = tpu.memref_slice %arg14[%add3A_11] : memref<1000064xf32, #tpu.memory_space<vmem_shared>> -> memref<15616xf32, #tpu.memory_space<vmem_shared>>
    %dma_start3A_13 = arith.constant 0 : i32
    %dma_start3A_14 = tpu.memref_slice %arg4[%mul3A_4, %dma_start3A_13] : memref<32x1000000xf32, #tpu.memory_space<hbm>> -> memref<1x1000000xf32, #tpu.memory_space<hbm>>
    %dma_start3A_15 = tpu.memref_squeeze %dma_start3A_14 : memref<1x1000000xf32, #tpu.memory_space<hbm>> -> memref<1000000xf32, #tpu.memory_space<hbm>>
    %dma_start3A_16 = tpu.memref_slice %dma_start3A_15[%add3A_11] : memref<1000000xf32, #tpu.memory_space<hbm>> -> memref<15616xf32, #tpu.memory_space<hbm>>
    tpu.enqueue_dma source(%dma_start3A_16 : memref<15616xf32, #tpu.memory_space<hbm>>) target(%dma_start3A_12 : memref<15616xf32, #tpu.memory_space<vmem_shared>>) target_semaphore(%arg16 : memref<!tpu.dma_semaphore, #tpu.memory_space<semaphore_mem>>)
    %add3A_17 = arith.constant 31232 : i32
    %add3A_18 = arith.addi %mul3A_2, %add3A_17 : i32
    %dma_start3A_19 = tpu.memref_slice %arg14[%add3A_18] : memref<1000064xf32, #tpu.memory_space<vmem_shared>> -> memref<15616xf32, #tpu.memory_space<vmem_shared>>
    %dma_start3A_20 = arith.constant 0 : i32
    %dma_start3A_21 = tpu.memref_slice %arg4[%mul3A_4, %dma_start3A_20] : memref<32x1000000xf32, #tpu.memory_space<hbm>> -> memref<1x1000000xf32, #tpu.memory_space<hbm>>
    %dma_start3A_22 = tpu.memref_squeeze %dma_start3A_21 : memref<1x1000000xf32, #tpu.memory_space<hbm>> -> memref<1000000xf32, #tpu.memory_space<hbm>>
    %dma_start3A_23 = tpu.memref_slice %dma_start3A_22[%add3A_18] : memref<1000000xf32, #tpu.memory_space<hbm>> -> memref<15616xf32, #tpu.memory_space<hbm>>
    tpu.enqueue_dma source(%dma_start3A_23 : memref<15616xf32, #tpu.memory_space<hbm>>) target(%dma_start3A_19 : memref<15616xf32, #tpu.memory_space<vmem_shared>>) target_semaphore(%arg16 : memref<!tpu.dma_semaphore, #tpu.memory_space<semaphore_mem>>)
    %add3A_24 = arith.constant 46848 : i32
    %add3A_25 = arith.addi %mul3A_2, %add3A_24 : i32
    %dma_start3A_26 = tpu.memref_slice %arg14[%add3A_25] : memref<1000064xf32, #tpu.memory_space<vmem_shared>> -> memref<15616xf32, #tpu.memory_space<vmem_shared>>
    %dma_start3A_27 = arith.constant 0 : i32
    %dma_start3A_28 = tpu.memref_slice %arg4[%mul3A_4, %dma_start3A_27] : memref<32x1000000xf32, #tpu.memory_space<hbm>> -> memref<1x1000000xf32, #tpu.memory_space<hbm>>
    %dma_start3A_29 = tpu.memref_squeeze %dma_start3A_28 : memref<1x1000000xf32, #tpu.memory_space<hbm>> -> memref<1000000xf32, #tpu.memory_space<hbm>>
    %dma_start3A_30 = tpu.memref_slice %dma_start3A_29[%add3A_25] : memref<1000000xf32, #tpu.memory_space<hbm>> -> memref<15616xf32, #tpu.memory_space<hbm>>
    tpu.enqueue_dma source(%dma_start3A_30 : memref<15616xf32, #tpu.memory_space<hbm>>) target(%dma_start3A_26 : memref<15616xf32, #tpu.memory_space<vmem_shared>>) target_semaphore(%arg16 : memref<!tpu.dma_semaphore, #tpu.memory_space<semaphore_mem>>)
    %eq3A = arith.constant 15 : i32
    %eq3A_31 = arith.cmpi eq, %arg1, %eq3A : i32
    %convert_element_type3A = arith.extui %eq3A_31 : i1 to i32
    %cond3A = arith.constant 0 : i32
    %cond3A_32 = arith.cmpi ne, %convert_element_type3A, %cond3A : i32
    scf.if %cond3A_32 {
      %dma_start3A_38 = arith.constant 999424 : i32
      %dma_start3A_39 = tpu.memref_slice %arg14[%dma_start3A_38] : memref<1000064xf32, #tpu.memory_space<vmem_shared>> -> memref<640xf32, #tpu.memory_space<vmem_shared>>
      %dma_start3A_40 = arith.constant 0 : i32
      %dma_start3A_41 = tpu.memref_slice %arg6[%mul3A_4, %dma_start3A_40] : memref<32x640xf32, #tpu.memory_space<hbm>> -> memref<1x640xf32, #tpu.memory_space<hbm>>
      %dma_start3A_42 = tpu.memref_squeeze %dma_start3A_41 : memref<1x640xf32, #tpu.memory_space<hbm>> -> memref<640xf32, #tpu.memory_space<hbm>>
      tpu.enqueue_dma source(%dma_start3A_42 : memref<640xf32, #tpu.memory_space<hbm>>) target(%dma_start3A_39 : memref<640xf32, #tpu.memory_space<vmem_shared>>) target_semaphore(%arg16 : memref<!tpu.dma_semaphore, #tpu.memory_space<semaphore_mem>>)
    } else {
    }
    %scan3A = arith.constant 0 : i32
    %scan3A_33 = arith.constant 0 : i32
    %scan3A_34 = arith.constant 16 : i32
    %scan3A_35 = arith.addi %scan3A_33, %scan3A_34 : i32
    %scan3A_36 = arith.constant 1 : i32
    scf.for %scan3A_38 = %scan3A_33 to %scan3A_35 step %scan3A_36  : i32 {
      %mul3A_39 = arith.constant 16 : i32
      %mul3A_40 = arith.muli %arg0, %mul3A_39 : i32
      %add3A_41 = arith.addi %mul3A_40, %scan3A_38 : i32
      %add3A_42 = arith.constant 0 : i32
      %add3A_43 = arith.addi %mul3A_2, %add3A_42 : i32
      %dma_wait3A = tpu.memref_slice %arg14[%add3A_43] : memref<1000064xf32, #tpu.memory_space<vmem_shared>> -> memref<15616xf32, #tpu.memory_space<vmem_shared>>
      %dma_wait3A_44 = arith.constant 0 : i32
      %dma_wait3A_45 = tpu.memref_slice %arg4[%add3A_41, %dma_wait3A_44] : memref<32x1000000xf32, #tpu.memory_space<hbm>> -> memref<1x1000000xf32, #tpu.memory_space<hbm>>
      %dma_wait3A_46 = tpu.memref_squeeze %dma_wait3A_45 : memref<1x1000000xf32, #tpu.memory_space<hbm>> -> memref<1000000xf32, #tpu.memory_space<hbm>>
      %dma_wait3A_47 = tpu.memref_slice %dma_wait3A_46[%add3A_43] : memref<1000000xf32, #tpu.memory_space<hbm>> -> memref<15616xf32, #tpu.memory_space<hbm>>
      tpu.wait_dma2 semaphore(%arg16 : memref<!tpu.dma_semaphore, #tpu.memory_space<semaphore_mem>>) src(%dma_wait3A_47 : memref<15616xf32, #tpu.memory_space<hbm>>) dst(%dma_wait3A : memref<15616xf32, #tpu.memory_space<vmem_shared>>)
      %add3A_48 = arith.constant 15616 : i32
      %add3A_49 = arith.addi %mul3A_2, %add3A_48 : i32
      %dma_wait3A_50 = tpu.memref_slice %arg14[%add3A_49] : memref<1000064xf32, #tpu.memory_space<vmem_shared>> -> memref<15616xf32, #tpu.memory_space<vmem_shared>>
      %dma_wait3A_51 = arith.constant 0 : i32
      %dma_wait3A_52 = tpu.memref_slice %arg4[%add3A_41, %dma_wait3A_51] : memref<32x1000000xf32, #tpu.memory_space<hbm>> -> memref<1x1000000xf32, #tpu.memory_space<hbm>>
      %dma_wait3A_53 = tpu.memref_squeeze %dma_wait3A_52 : memref<1x1000000xf32, #tpu.memory_space<hbm>> -> memref<1000000xf32, #tpu.memory_space<hbm>>
      %dma_wait3A_54 = tpu.memref_slice %dma_wait3A_53[%add3A_49] : memref<1000000xf32, #tpu.memory_space<hbm>> -> memref<15616xf32, #tpu.memory_space<hbm>>
      tpu.wait_dma2 semaphore(%arg16 : memref<!tpu.dma_semaphore, #tpu.memory_space<semaphore_mem>>) src(%dma_wait3A_54 : memref<15616xf32, #tpu.memory_space<hbm>>) dst(%dma_wait3A_50 : memref<15616xf32, #tpu.memory_space<vmem_shared>>)
      %add3A_55 = arith.constant 31232 : i32
      %add3A_56 = arith.addi %mul3A_2, %add3A_55 : i32
      %dma_wait3A_57 = tpu.memref_slice %arg14[%add3A_56] : memref<1000064xf32, #tpu.memory_space<vmem_shared>> -> memref<15616xf32, #tpu.memory_space<vmem_shared>>
      %dma_wait3A_58 = arith.constant 0 : i32
      %dma_wait3A_59 = tpu.memref_slice %arg4[%add3A_41, %dma_wait3A_58] : memref<32x1000000xf32, #tpu.memory_space<hbm>> -> memref<1x1000000xf32, #tpu.memory_space<hbm>>
      %dma_wait3A_60 = tpu.memref_squeeze %dma_wait3A_59 : memref<1x1000000xf32, #tpu.memory_space<hbm>> -> memref<1000000xf32, #tpu.memory_space<hbm>>
      %dma_wait3A_61 = tpu.memref_slice %dma_wait3A_60[%add3A_56] : memref<1000000xf32, #tpu.memory_space<hbm>> -> memref<15616xf32, #tpu.memory_space<hbm>>
      tpu.wait_dma2 semaphore(%arg16 : memref<!tpu.dma_semaphore, #tpu.memory_space<semaphore_mem>>) src(%dma_wait3A_61 : memref<15616xf32, #tpu.memory_space<hbm>>) dst(%dma_wait3A_57 : memref<15616xf32, #tpu.memory_space<vmem_shared>>)
      %add3A_62 = arith.constant 46848 : i32
      %add3A_63 = arith.addi %mul3A_2, %add3A_62 : i32
      %dma_wait3A_64 = tpu.memref_slice %arg14[%add3A_63] : memref<1000064xf32, #tpu.memory_space<vmem_shared>> -> memref<15616xf32, #tpu.memory_space<vmem_shared>>
      %dma_wait3A_65 = arith.constant 0 : i32
      %dma_wait3A_66 = tpu.memref_slice %arg4[%add3A_41, %dma_wait3A_65] : memref<32x1000000xf32, #tpu.memory_space<hbm>> -> memref<1x1000000xf32, #tpu.memory_space<hbm>>
      %dma_wait3A_67 = tpu.memref_squeeze %dma_wait3A_66 : memref<1x1000000xf32, #tpu.memory_space<hbm>> -> memref<1000000xf32, #tpu.memory_space<hbm>>
      %dma_wait3A_68 = tpu.memref_slice %dma_wait3A_67[%add3A_63] : memref<1000000xf32, #tpu.memory_space<hbm>> -> memref<15616xf32, #tpu.memory_space<hbm>>
      tpu.wait_dma2 semaphore(%arg16 : memref<!tpu.dma_semaphore, #tpu.memory_space<semaphore_mem>>) src(%dma_wait3A_68 : memref<15616xf32, #tpu.memory_space<hbm>>) dst(%dma_wait3A_64 : memref<15616xf32, #tpu.memory_space<vmem_shared>>)
      %eq3A_69 = arith.constant 15 : i32
      %eq3A_70 = arith.cmpi eq, %arg1, %eq3A_69 : i32
      %convert_element_type3A_71 = arith.extui %eq3A_70 : i1 to i32
      %cond3A_72 = arith.constant 0 : i32
      %cond3A_73 = arith.cmpi ne, %convert_element_type3A_71, %cond3A_72 : i32
      scf.if %cond3A_73 {
        %dma_wait3A_337 = arith.constant 999424 : i32
        %dma_wait3A_338 = tpu.memref_slice %arg14[%dma_wait3A_337] : memref<1000064xf32, #tpu.memory_space<vmem_shared>> -> memref<640xf32, #tpu.memory_space<vmem_shared>>
        %dma_wait3A_339 = arith.constant 0 : i32
        %dma_wait3A_340 = tpu.memref_slice %arg6[%add3A_41, %dma_wait3A_339] : memref<32x640xf32, #tpu.memory_space<hbm>> -> memref<1x640xf32, #tpu.memory_space<hbm>>
        %dma_wait3A_341 = tpu.memref_squeeze %dma_wait3A_340 : memref<1x640xf32, #tpu.memory_space<hbm>> -> memref<640xf32, #tpu.memory_space<hbm>>
        tpu.wait_dma2 semaphore(%arg16 : memref<!tpu.dma_semaphore, #tpu.memory_space<semaphore_mem>>) src(%dma_wait3A_341 : memref<640xf32, #tpu.memory_space<hbm>>) dst(%dma_wait3A_338 : memref<640xf32, #tpu.memory_space<vmem_shared>>)
      } else {
      }
      %barrier3A = arith.constant 0 : index
      tpu.barrier barrier_id(%barrier3A)
      %add3A_74 = arith.constant 0 : i32
      %add3A_75 = arith.addi %mul3A_2, %add3A_74 : i32
      %dma_start3A_76 = tpu.memref_slice %arg15[%add3A_75] : memref<1000064xf32, #tpu.memory_space<vmem_shared>> -> memref<15616xf32, #tpu.memory_space<vmem_shared>>
      %dma_start3A_77 = arith.constant 0 : i32
      %dma_start3A_78 = tpu.memref_slice %arg5[%add3A_41, %dma_start3A_77] : memref<32x1000000xf32, #tpu.memory_space<hbm>> -> memref<1x1000000xf32, #tpu.memory_space<hbm>>
      %dma_start3A_79 = tpu.memref_squeeze %dma_start3A_78 : memref<1x1000000xf32, #tpu.memory_space<hbm>> -> memref<1000000xf32, #tpu.memory_space<hbm>>
      %dma_start3A_80 = tpu.memref_slice %dma_start3A_79[%add3A_75] : memref<1000000xf32, #tpu.memory_space<hbm>> -> memref<15616xf32, #tpu.memory_space<hbm>>
      tpu.enqueue_dma source(%dma_start3A_80 : memref<15616xf32, #tpu.memory_space<hbm>>) target(%dma_start3A_76 : memref<15616xf32, #tpu.memory_space<vmem_shared>>) target_semaphore(%arg17 : memref<!tpu.dma_semaphore, #tpu.memory_space<semaphore_mem>>)
      %add3A_81 = arith.constant 15616 : i32
      %add3A_82 = arith.addi %mul3A_2, %add3A_81 : i32
      %dma_start3A_83 = tpu.memref_slice %arg15[%add3A_82] : memref<1000064xf32, #tpu.memory_space<vmem_shared>> -> memref<15616xf32, #tpu.memory_space<vmem_shared>>
      %dma_start3A_84 = arith.constant 0 : i32
      %dma_start3A_85 = tpu.memref_slice %arg5[%add3A_41, %dma_start3A_84] : memref<32x1000000xf32, #tpu.memory_space<hbm>> -> memref<1x1000000xf32, #tpu.memory_space<hbm>>
      %dma_start3A_86 = tpu.memref_squeeze %dma_start3A_85 : memref<1x1000000xf32, #tpu.memory_space<hbm>> -> memref<1000000xf32, #tpu.memory_space<hbm>>
      %dma_start3A_87 = tpu.memref_slice %dma_start3A_86[%add3A_82] : memref<1000000xf32, #tpu.memory_space<hbm>> -> memref<15616xf32, #tpu.memory_space<hbm>>
      tpu.enqueue_dma source(%dma_start3A_87 : memref<15616xf32, #tpu.memory_space<hbm>>) target(%dma_start3A_83 : memref<15616xf32, #tpu.memory_space<vmem_shared>>) target_semaphore(%arg17 : memref<!tpu.dma_semaphore, #tpu.memory_space<semaphore_mem>>)
      %add3A_88 = arith.constant 31232 : i32
      %add3A_89 = arith.addi %mul3A_2, %add3A_88 : i32
      %dma_start3A_90 = tpu.memref_slice %arg15[%add3A_89] : memref<1000064xf32, #tpu.memory_space<vmem_shared>> -> memref<15616xf32, #tpu.memory_space<vmem_shared>>
      %dma_start3A_91 = arith.constant 0 : i32
      %dma_start3A_92 = tpu.memref_slice %arg5[%add3A_41, %dma_start3A_91] : memref<32x1000000xf32, #tpu.memory_space<hbm>> -> memref<1x1000000xf32, #tpu.memory_space<hbm>>
      %dma_start3A_93 = tpu.memref_squeeze %dma_start3A_92 : memref<1x1000000xf32, #tpu.memory_space<hbm>> -> memref<1000000xf32, #tpu.memory_space<hbm>>
      %dma_start3A_94 = tpu.memref_slice %dma_start3A_93[%add3A_89] : memref<1000000xf32, #tpu.memory_space<hbm>> -> memref<15616xf32, #tpu.memory_space<hbm>>
      tpu.enqueue_dma source(%dma_start3A_94 : memref<15616xf32, #tpu.memory_space<hbm>>) target(%dma_start3A_90 : memref<15616xf32, #tpu.memory_space<vmem_shared>>) target_semaphore(%arg17 : memref<!tpu.dma_semaphore, #tpu.memory_space<semaphore_mem>>)
      %add3A_95 = arith.constant 46848 : i32
      %add3A_96 = arith.addi %mul3A_2, %add3A_95 : i32
      %dma_start3A_97 = tpu.memref_slice %arg15[%add3A_96] : memref<1000064xf32, #tpu.memory_space<vmem_shared>> -> memref<15616xf32, #tpu.memory_space<vmem_shared>>
      %dma_start3A_98 = arith.constant 0 : i32
      %dma_start3A_99 = tpu.memref_slice %arg5[%add3A_41, %dma_start3A_98] : memref<32x1000000xf32, #tpu.memory_space<hbm>> -> memref<1x1000000xf32, #tpu.memory_space<hbm>>
      %dma_start3A_100 = tpu.memref_squeeze %dma_start3A_99 : memref<1x1000000xf32, #tpu.memory_space<hbm>> -> memref<1000000xf32, #tpu.memory_space<hbm>>
      %dma_start3A_101 = tpu.memref_slice %dma_start3A_100[%add3A_96] : memref<1000000xf32, #tpu.memory_space<hbm>> -> memref<15616xf32, #tpu.memory_space<hbm>>
      tpu.enqueue_dma source(%dma_start3A_101 : memref<15616xf32, #tpu.memory_space<hbm>>) target(%dma_start3A_97 : memref<15616xf32, #tpu.memory_space<vmem_shared>>) target_semaphore(%arg17 : memref<!tpu.dma_semaphore, #tpu.memory_space<semaphore_mem>>)
      %eq3A_102 = arith.constant 15 : i32
      %eq3A_103 = arith.cmpi eq, %arg1, %eq3A_102 : i32
      %convert_element_type3A_104 = arith.extui %eq3A_103 : i1 to i32
      %cond3A_105 = arith.constant 0 : i32
      %cond3A_106 = arith.cmpi ne, %convert_element_type3A_104, %cond3A_105 : i32
      scf.if %cond3A_106 {
        %dma_start3A_337 = arith.constant 999424 : i32
        %dma_start3A_338 = tpu.memref_slice %arg15[%dma_start3A_337] : memref<1000064xf32, #tpu.memory_space<vmem_shared>> -> memref<640xf32, #tpu.memory_space<vmem_shared>>
        %dma_start3A_339 = arith.constant 0 : i32
        %dma_start3A_340 = tpu.memref_slice %arg7[%add3A_41, %dma_start3A_339] : memref<32x640xf32, #tpu.memory_space<hbm>> -> memref<1x640xf32, #tpu.memory_space<hbm>>
        %dma_start3A_341 = tpu.memref_squeeze %dma_start3A_340 : memref<1x640xf32, #tpu.memory_space<hbm>> -> memref<640xf32, #tpu.memory_space<hbm>>
        tpu.enqueue_dma source(%dma_start3A_341 : memref<640xf32, #tpu.memory_space<hbm>>) target(%dma_start3A_338 : memref<640xf32, #tpu.memory_space<vmem_shared>>) target_semaphore(%arg17 : memref<!tpu.dma_semaphore, #tpu.memory_space<semaphore_mem>>)
      } else {
      }
      %dma_start3A_107 = arith.constant 0 : i32
      %dma_start3A_108 = tpu.memref_slice %arg12[%dma_start3A_107] : memref<1024xf32, #tpu.memory_space<vmem>> -> memref<128xf32, #tpu.memory_space<vmem>>
      %dma_start3A_109 = arith.constant 0 : i32
      %dma_start3A_110 = tpu.memref_slice %arg10[%dma_start3A_109] : memref<1024xi32, #tpu.memory_space<vmem>> -> memref<128xi32, #tpu.memory_space<vmem>>
      %dma_start3A_111 = arith.constant 0 : i32
      %dma_start3A_112 = tpu.memref_slice %arg14[%dma_start3A_111] : memref<1000064xf32, #tpu.memory_space<vmem_shared>> -> memref<1000064xf32, #tpu.memory_space<vmem_shared>>
      tpu.enqueue_indirect_dma source(%dma_start3A_112 : memref<1000064xf32, #tpu.memory_space<vmem_shared>>) target(%dma_start3A_108 : memref<128xf32, #tpu.memory_space<vmem>>) offsets(%dma_start3A_110 : memref<128xi32, #tpu.memory_space<vmem>>) semaphore(%arg18 : memref<!tpu.dma_semaphore, #tpu.memory_space<semaphore_mem>>)
      %dma_start3A_113 = arith.constant 128 : i32
      %dma_start3A_114 = tpu.memref_slice %arg12[%dma_start3A_113] : memref<1024xf32, #tpu.memory_space<vmem>> -> memref<128xf32, #tpu.memory_space<vmem>>
      %dma_start3A_115 = arith.constant 128 : i32
      %dma_start3A_116 = tpu.memref_slice %arg10[%dma_start3A_115] : memref<1024xi32, #tpu.memory_space<vmem>> -> memref<128xi32, #tpu.memory_space<vmem>>
      %dma_start3A_117 = arith.constant 0 : i32
      %dma_start3A_118 = tpu.memref_slice %arg14[%dma_start3A_117] : memref<1000064xf32, #tpu.memory_space<vmem_shared>> -> memref<1000064xf32, #tpu.memory_space<vmem_shared>>
      tpu.enqueue_indirect_dma source(%dma_start3A_118 : memref<1000064xf32, #tpu.memory_space<vmem_shared>>) target(%dma_start3A_114 : memref<128xf32, #tpu.memory_space<vmem>>) offsets(%dma_start3A_116 : memref<128xi32, #tpu.memory_space<vmem>>) semaphore(%arg18 : memref<!tpu.dma_semaphore, #tpu.memory_space<semaphore_mem>>)
      %dma_start3A_119 = arith.constant 256 : i32
      %dma_start3A_120 = tpu.memref_slice %arg12[%dma_start3A_119] : memref<1024xf32, #tpu.memory_space<vmem>> -> memref<128xf32, #tpu.memory_space<vmem>>
      %dma_start3A_121 = arith.constant 256 : i32
      %dma_start3A_122 = tpu.memref_slice %arg10[%dma_start3A_121] : memref<1024xi32, #tpu.memory_space<vmem>> -> memref<128xi32, #tpu.memory_space<vmem>>
      %dma_start3A_123 = arith.constant 0 : i32
      %dma_start3A_124 = tpu.memref_slice %arg14[%dma_start3A_123] : memref<1000064xf32, #tpu.memory_space<vmem_shared>> -> memref<1000064xf32, #tpu.memory_space<vmem_shared>>
      tpu.enqueue_indirect_dma source(%dma_start3A_124 : memref<1000064xf32, #tpu.memory_space<vmem_shared>>) target(%dma_start3A_120 : memref<128xf32, #tpu.memory_space<vmem>>) offsets(%dma_start3A_122 : memref<128xi32, #tpu.memory_space<vmem>>) semaphore(%arg18 : memref<!tpu.dma_semaphore, #tpu.memory_space<semaphore_mem>>)
      %dma_start3A_125 = arith.constant 384 : i32
      %dma_start3A_126 = tpu.memref_slice %arg12[%dma_start3A_125] : memref<1024xf32, #tpu.memory_space<vmem>> -> memref<128xf32, #tpu.memory_space<vmem>>
      %dma_start3A_127 = arith.constant 384 : i32
      %dma_start3A_128 = tpu.memref_slice %arg10[%dma_start3A_127] : memref<1024xi32, #tpu.memory_space<vmem>> -> memref<128xi32, #tpu.memory_space<vmem>>
      %dma_start3A_129 = arith.constant 0 : i32
      %dma_start3A_130 = tpu.memref_slice %arg14[%dma_start3A_129] : memref<1000064xf32, #tpu.memory_space<vmem_shared>> -> memref<1000064xf32, #tpu.memory_space<vmem_shared>>
      tpu.enqueue_indirect_dma source(%dma_start3A_130 : memref<1000064xf32, #tpu.memory_space<vmem_shared>>) target(%dma_start3A_126 : memref<128xf32, #tpu.memory_space<vmem>>) offsets(%dma_start3A_128 : memref<128xi32, #tpu.memory_space<vmem>>) semaphore(%arg18 : memref<!tpu.dma_semaphore, #tpu.memory_space<semaphore_mem>>)
      %dma_start3A_131 = arith.constant 512 : i32
      %dma_start3A_132 = tpu.memref_slice %arg12[%dma_start3A_131] : memref<1024xf32, #tpu.memory_space<vmem>> -> memref<128xf32, #tpu.memory_space<vmem>>
      %dma_start3A_133 = arith.constant 512 : i32
      %dma_start3A_134 = tpu.memref_slice %arg10[%dma_start3A_133] : memref<1024xi32, #tpu.memory_space<vmem>> -> memref<128xi32, #tpu.memory_space<vmem>>
      %dma_start3A_135 = arith.constant 0 : i32
      %dma_start3A_136 = tpu.memref_slice %arg14[%dma_start3A_135] : memref<1000064xf32, #tpu.memory_space<vmem_shared>> -> memref<1000064xf32, #tpu.memory_space<vmem_shared>>
      tpu.enqueue_indirect_dma source(%dma_start3A_136 : memref<1000064xf32, #tpu.memory_space<vmem_shared>>) target(%dma_start3A_132 : memref<128xf32, #tpu.memory_space<vmem>>) offsets(%dma_start3A_134 : memref<128xi32, #tpu.memory_space<vmem>>) semaphore(%arg18 : memref<!tpu.dma_semaphore, #tpu.memory_space<semaphore_mem>>)
      %dma_start3A_137 = arith.constant 640 : i32
      %dma_start3A_138 = tpu.memref_slice %arg12[%dma_start3A_137] : memref<1024xf32, #tpu.memory_space<vmem>> -> memref<128xf32, #tpu.memory_space<vmem>>
      %dma_start3A_139 = arith.constant 640 : i32
      %dma_start3A_140 = tpu.memref_slice %arg10[%dma_start3A_139] : memref<1024xi32, #tpu.memory_space<vmem>> -> memref<128xi32, #tpu.memory_space<vmem>>
      %dma_start3A_141 = arith.constant 0 : i32
      %dma_start3A_142 = tpu.memref_slice %arg14[%dma_start3A_141] : memref<1000064xf32, #tpu.memory_space<vmem_shared>> -> memref<1000064xf32, #tpu.memory_space<vmem_shared>>
      tpu.enqueue_indirect_dma source(%dma_start3A_142 : memref<1000064xf32, #tpu.memory_space<vmem_shared>>) target(%dma_start3A_138 : memref<128xf32, #tpu.memory_space<vmem>>) offsets(%dma_start3A_140 : memref<128xi32, #tpu.memory_space<vmem>>) semaphore(%arg18 : memref<!tpu.dma_semaphore, #tpu.memory_space<semaphore_mem>>)
      %dma_start3A_143 = arith.constant 768 : i32
      %dma_start3A_144 = tpu.memref_slice %arg12[%dma_start3A_143] : memref<1024xf32, #tpu.memory_space<vmem>> -> memref<128xf32, #tpu.memory_space<vmem>>
      %dma_start3A_145 = arith.constant 768 : i32
      %dma_start3A_146 = tpu.memref_slice %arg10[%dma_start3A_145] : memref<1024xi32, #tpu.memory_space<vmem>> -> memref<128xi32, #tpu.memory_space<vmem>>
      %dma_start3A_147 = arith.constant 0 : i32
      %dma_start3A_148 = tpu.memref_slice %arg14[%dma_start3A_147] : memref<1000064xf32, #tpu.memory_space<vmem_shared>> -> memref<1000064xf32, #tpu.memory_space<vmem_shared>>
      tpu.enqueue_indirect_dma source(%dma_start3A_148 : memref<1000064xf32, #tpu.memory_space<vmem_shared>>) target(%dma_start3A_144 : memref<128xf32, #tpu.memory_space<vmem>>) offsets(%dma_start3A_146 : memref<128xi32, #tpu.memory_space<vmem>>) semaphore(%arg18 : memref<!tpu.dma_semaphore, #tpu.memory_space<semaphore_mem>>)
      %dma_start3A_149 = arith.constant 896 : i32
      %dma_start3A_150 = tpu.memref_slice %arg12[%dma_start3A_149] : memref<1024xf32, #tpu.memory_space<vmem>> -> memref<128xf32, #tpu.memory_space<vmem>>
      %dma_start3A_151 = arith.constant 896 : i32
      %dma_start3A_152 = tpu.memref_slice %arg10[%dma_start3A_151] : memref<1024xi32, #tpu.memory_space<vmem>> -> memref<128xi32, #tpu.memory_space<vmem>>
      %dma_start3A_153 = arith.constant 0 : i32
      %dma_start3A_154 = tpu.memref_slice %arg14[%dma_start3A_153] : memref<1000064xf32, #tpu.memory_space<vmem_shared>> -> memref<1000064xf32, #tpu.memory_space<vmem_shared>>
      tpu.enqueue_indirect_dma source(%dma_start3A_154 : memref<1000064xf32, #tpu.memory_space<vmem_shared>>) target(%dma_start3A_150 : memref<128xf32, #tpu.memory_space<vmem>>) offsets(%dma_start3A_152 : memref<128xi32, #tpu.memory_space<vmem>>) semaphore(%arg18 : memref<!tpu.dma_semaphore, #tpu.memory_space<semaphore_mem>>)
      %dma_wait3A_155 = arith.constant 0 : i32
      %dma_wait3A_156 = tpu.memref_slice %arg12[%dma_wait3A_155] : memref<1024xf32, #tpu.memory_space<vmem>> -> memref<128xf32, #tpu.memory_space<vmem>>
      %dma_wait3A_157 = arith.constant 0 : i32
      %dma_wait3A_158 = tpu.memref_slice %arg10[%dma_wait3A_157] : memref<1024xi32, #tpu.memory_space<vmem>> -> memref<128xi32, #tpu.memory_space<vmem>>
      %dma_wait3A_159 = arith.constant 0 : i32
      %dma_wait3A_160 = tpu.memref_slice %arg14[%dma_wait3A_159] : memref<1000064xf32, #tpu.memory_space<vmem_shared>> -> memref<1000064xf32, #tpu.memory_space<vmem_shared>>
      tpu.wait_indirect_dma semaphore(%arg18 : memref<!tpu.dma_semaphore, #tpu.memory_space<semaphore_mem>>) src(%dma_wait3A_160 : memref<1000064xf32, #tpu.memory_space<vmem_shared>>) dst(%dma_wait3A_156 : memref<128xf32, #tpu.memory_space<vmem>>)
      %dma_wait3A_161 = arith.constant 128 : i32
      %dma_wait3A_162 = tpu.memref_slice %arg12[%dma_wait3A_161] : memref<1024xf32, #tpu.memory_space<vmem>> -> memref<128xf32, #tpu.memory_space<vmem>>
      %dma_wait3A_163 = arith.constant 128 : i32
      %dma_wait3A_164 = tpu.memref_slice %arg10[%dma_wait3A_163] : memref<1024xi32, #tpu.memory_space<vmem>> -> memref<128xi32, #tpu.memory_space<vmem>>
      %dma_wait3A_165 = arith.constant 0 : i32
      %dma_wait3A_166 = tpu.memref_slice %arg14[%dma_wait3A_165] : memref<1000064xf32, #tpu.memory_space<vmem_shared>> -> memref<1000064xf32, #tpu.memory_space<vmem_shared>>
      tpu.wait_indirect_dma semaphore(%arg18 : memref<!tpu.dma_semaphore, #tpu.memory_space<semaphore_mem>>) src(%dma_wait3A_166 : memref<1000064xf32, #tpu.memory_space<vmem_shared>>) dst(%dma_wait3A_162 : memref<128xf32, #tpu.memory_space<vmem>>)
      %dma_wait3A_167 = arith.constant 256 : i32
      %dma_wait3A_168 = tpu.memref_slice %arg12[%dma_wait3A_167] : memref<1024xf32, #tpu.memory_space<vmem>> -> memref<128xf32, #tpu.memory_space<vmem>>
      %dma_wait3A_169 = arith.constant 256 : i32
      %dma_wait3A_170 = tpu.memref_slice %arg10[%dma_wait3A_169] : memref<1024xi32, #tpu.memory_space<vmem>> -> memref<128xi32, #tpu.memory_space<vmem>>
      %dma_wait3A_171 = arith.constant 0 : i32
      %dma_wait3A_172 = tpu.memref_slice %arg14[%dma_wait3A_171] : memref<1000064xf32, #tpu.memory_space<vmem_shared>> -> memref<1000064xf32, #tpu.memory_space<vmem_shared>>
      tpu.wait_indirect_dma semaphore(%arg18 : memref<!tpu.dma_semaphore, #tpu.memory_space<semaphore_mem>>) src(%dma_wait3A_172 : memref<1000064xf32, #tpu.memory_space<vmem_shared>>) dst(%dma_wait3A_168 : memref<128xf32, #tpu.memory_space<vmem>>)
      %dma_wait3A_173 = arith.constant 384 : i32
      %dma_wait3A_174 = tpu.memref_slice %arg12[%dma_wait3A_173] : memref<1024xf32, #tpu.memory_space<vmem>> -> memref<128xf32, #tpu.memory_space<vmem>>
      %dma_wait3A_175 = arith.constant 384 : i32
      %dma_wait3A_176 = tpu.memref_slice %arg10[%dma_wait3A_175] : memref<1024xi32, #tpu.memory_space<vmem>> -> memref<128xi32, #tpu.memory_space<vmem>>
      %dma_wait3A_177 = arith.constant 0 : i32
      %dma_wait3A_178 = tpu.memref_slice %arg14[%dma_wait3A_177] : memref<1000064xf32, #tpu.memory_space<vmem_shared>> -> memref<1000064xf32, #tpu.memory_space<vmem_shared>>
      tpu.wait_indirect_dma semaphore(%arg18 : memref<!tpu.dma_semaphore, #tpu.memory_space<semaphore_mem>>) src(%dma_wait3A_178 : memref<1000064xf32, #tpu.memory_space<vmem_shared>>) dst(%dma_wait3A_174 : memref<128xf32, #tpu.memory_space<vmem>>)
      %dma_wait3A_179 = arith.constant 512 : i32
      %dma_wait3A_180 = tpu.memref_slice %arg12[%dma_wait3A_179] : memref<1024xf32, #tpu.memory_space<vmem>> -> memref<128xf32, #tpu.memory_space<vmem>>
      %dma_wait3A_181 = arith.constant 512 : i32
      %dma_wait3A_182 = tpu.memref_slice %arg10[%dma_wait3A_181] : memref<1024xi32, #tpu.memory_space<vmem>> -> memref<128xi32, #tpu.memory_space<vmem>>
      %dma_wait3A_183 = arith.constant 0 : i32
      %dma_wait3A_184 = tpu.memref_slice %arg14[%dma_wait3A_183] : memref<1000064xf32, #tpu.memory_space<vmem_shared>> -> memref<1000064xf32, #tpu.memory_space<vmem_shared>>
      tpu.wait_indirect_dma semaphore(%arg18 : memref<!tpu.dma_semaphore, #tpu.memory_space<semaphore_mem>>) src(%dma_wait3A_184 : memref<1000064xf32, #tpu.memory_space<vmem_shared>>) dst(%dma_wait3A_180 : memref<128xf32, #tpu.memory_space<vmem>>)
      %dma_wait3A_185 = arith.constant 640 : i32
      %dma_wait3A_186 = tpu.memref_slice %arg12[%dma_wait3A_185] : memref<1024xf32, #tpu.memory_space<vmem>> -> memref<128xf32, #tpu.memory_space<vmem>>
      %dma_wait3A_187 = arith.constant 640 : i32
      %dma_wait3A_188 = tpu.memref_slice %arg10[%dma_wait3A_187] : memref<1024xi32, #tpu.memory_space<vmem>> -> memref<128xi32, #tpu.memory_space<vmem>>
      %dma_wait3A_189 = arith.constant 0 : i32
      %dma_wait3A_190 = tpu.memref_slice %arg14[%dma_wait3A_189] : memref<1000064xf32, #tpu.memory_space<vmem_shared>> -> memref<1000064xf32, #tpu.memory_space<vmem_shared>>
      tpu.wait_indirect_dma semaphore(%arg18 : memref<!tpu.dma_semaphore, #tpu.memory_space<semaphore_mem>>) src(%dma_wait3A_190 : memref<1000064xf32, #tpu.memory_space<vmem_shared>>) dst(%dma_wait3A_186 : memref<128xf32, #tpu.memory_space<vmem>>)
      %dma_wait3A_191 = arith.constant 768 : i32
      %dma_wait3A_192 = tpu.memref_slice %arg12[%dma_wait3A_191] : memref<1024xf32, #tpu.memory_space<vmem>> -> memref<128xf32, #tpu.memory_space<vmem>>
      %dma_wait3A_193 = arith.constant 768 : i32
      %dma_wait3A_194 = tpu.memref_slice %arg10[%dma_wait3A_193] : memref<1024xi32, #tpu.memory_space<vmem>> -> memref<128xi32, #tpu.memory_space<vmem>>
      %dma_wait3A_195 = arith.constant 0 : i32
      %dma_wait3A_196 = tpu.memref_slice %arg14[%dma_wait3A_195] : memref<1000064xf32, #tpu.memory_space<vmem_shared>> -> memref<1000064xf32, #tpu.memory_space<vmem_shared>>
      tpu.wait_indirect_dma semaphore(%arg18 : memref<!tpu.dma_semaphore, #tpu.memory_space<semaphore_mem>>) src(%dma_wait3A_196 : memref<1000064xf32, #tpu.memory_space<vmem_shared>>) dst(%dma_wait3A_192 : memref<128xf32, #tpu.memory_space<vmem>>)
      %dma_wait3A_197 = arith.constant 896 : i32
      %dma_wait3A_198 = tpu.memref_slice %arg12[%dma_wait3A_197] : memref<1024xf32, #tpu.memory_space<vmem>> -> memref<128xf32, #tpu.memory_space<vmem>>
      %dma_wait3A_199 = arith.constant 896 : i32
      %dma_wait3A_200 = tpu.memref_slice %arg10[%dma_wait3A_199] : memref<1024xi32, #tpu.memory_space<vmem>> -> memref<128xi32, #tpu.memory_space<vmem>>
      %dma_wait3A_201 = arith.constant 0 : i32
      %dma_wait3A_202 = tpu.memref_slice %arg14[%dma_wait3A_201] : memref<1000064xf32, #tpu.memory_space<vmem_shared>> -> memref<1000064xf32, #tpu.memory_space<vmem_shared>>
      tpu.wait_indirect_dma semaphore(%arg18 : memref<!tpu.dma_semaphore, #tpu.memory_space<semaphore_mem>>) src(%dma_wait3A_202 : memref<1000064xf32, #tpu.memory_space<vmem_shared>>) dst(%dma_wait3A_198 : memref<128xf32, #tpu.memory_space<vmem>>)
      "tpu.region"() ({
        %run_scoped3A = tpu.sem_alloc : memref<!tpu.dma_semaphore, #tpu.memory_space<semaphore_mem>>
        %dma_start3A_337 = arith.constant 0 : i32
        %dma_start3A_338 = tpu.memref_slice %arg8[%add3A_41, %dma_start3A_337] : memref<32x16384xf32, #tpu.memory_space<hbm>> -> memref<1x16384xf32, #tpu.memory_space<hbm>>
        %dma_start3A_339 = tpu.memref_squeeze %dma_start3A_338 : memref<1x16384xf32, #tpu.memory_space<hbm>> -> memref<16384xf32, #tpu.memory_space<hbm>>
        %dma_start3A_340 = tpu.memref_slice %dma_start3A_339[%mul3A_0] : memref<16384xf32, #tpu.memory_space<hbm>> -> memref<1024xf32, #tpu.memory_space<hbm>>
        %dma_start3A_341 = arith.constant 0 : i32
        %dma_start3A_342 = tpu.memref_slice %arg8[%add3A_41, %dma_start3A_341] : memref<32x16384xf32, #tpu.memory_space<hbm>> -> memref<1x16384xf32, #tpu.memory_space<hbm>>
        %dma_start3A_343 = tpu.memref_squeeze %dma_start3A_342 : memref<1x16384xf32, #tpu.memory_space<hbm>> -> memref<16384xf32, #tpu.memory_space<hbm>>
        %dma_start3A_344 = tpu.memref_slice %dma_start3A_343[%mul3A_0] : memref<16384xf32, #tpu.memory_space<hbm>> -> memref<1024xf32, #tpu.memory_space<hbm>>
        tpu.enqueue_dma source(%arg12 : memref<1024xf32, #tpu.memory_space<vmem>>) target(%dma_start3A_344 : memref<1024xf32, #tpu.memory_space<hbm>>) target_semaphore(%run_scoped3A : memref<!tpu.dma_semaphore, #tpu.memory_space<semaphore_mem>>)
        %dma_wait3A_345 = arith.constant 0 : i32
        %dma_wait3A_346 = tpu.memref_slice %arg8[%add3A_41, %dma_wait3A_345] : memref<32x16384xf32, #tpu.memory_space<hbm>> -> memref<1x16384xf32, #tpu.memory_space<hbm>>
        %dma_wait3A_347 = tpu.memref_squeeze %dma_wait3A_346 : memref<1x16384xf32, #tpu.memory_space<hbm>> -> memref<16384xf32, #tpu.memory_space<hbm>>
        %dma_wait3A_348 = tpu.memref_slice %dma_wait3A_347[%mul3A_0] : memref<16384xf32, #tpu.memory_space<hbm>> -> memref<1024xf32, #tpu.memory_space<hbm>>
        %dma_wait3A_349 = arith.constant 0 : i32
        %dma_wait3A_350 = tpu.memref_slice %arg8[%add3A_41, %dma_wait3A_349] : memref<32x16384xf32, #tpu.memory_space<hbm>> -> memref<1x16384xf32, #tpu.memory_space<hbm>>
        %dma_wait3A_351 = tpu.memref_squeeze %dma_wait3A_350 : memref<1x16384xf32, #tpu.memory_space<hbm>> -> memref<16384xf32, #tpu.memory_space<hbm>>
        %dma_wait3A_352 = tpu.memref_slice %dma_wait3A_351[%mul3A_0] : memref<16384xf32, #tpu.memory_space<hbm>> -> memref<1024xf32, #tpu.memory_space<hbm>>
        tpu.wait_dma2 semaphore(%run_scoped3A : memref<!tpu.dma_semaphore, #tpu.memory_space<semaphore_mem>>) src(%arg12 : memref<1024xf32, #tpu.memory_space<vmem>>) dst(%dma_wait3A_352 : memref<1024xf32, #tpu.memory_space<hbm>>)
        tpu.yield
      }) : () -> ()
      %add3A_203 = arith.constant 0 : i32
      %add3A_204 = arith.addi %mul3A_2, %add3A_203 : i32
      %dma_wait3A_205 = tpu.memref_slice %arg15[%add3A_204] : memref<1000064xf32, #tpu.memory_space<vmem_shared>> -> memref<15616xf32, #tpu.memory_space<vmem_shared>>
      %dma_wait3A_206 = arith.constant 0 : i32
      %dma_wait3A_207 = tpu.memref_slice %arg5[%add3A_41, %dma_wait3A_206] : memref<32x1000000xf32, #tpu.memory_space<hbm>> -> memref<1x1000000xf32, #tpu.memory_space<hbm>>
      %dma_wait3A_208 = tpu.memref_squeeze %dma_wait3A_207 : memref<1x1000000xf32, #tpu.memory_space<hbm>> -> memref<1000000xf32, #tpu.memory_space<hbm>>
      %dma_wait3A_209 = tpu.memref_slice %dma_wait3A_208[%add3A_204] : memref<1000000xf32, #tpu.memory_space<hbm>> -> memref<15616xf32, #tpu.memory_space<hbm>>
      tpu.wait_dma2 semaphore(%arg17 : memref<!tpu.dma_semaphore, #tpu.memory_space<semaphore_mem>>) src(%dma_wait3A_209 : memref<15616xf32, #tpu.memory_space<hbm>>) dst(%dma_wait3A_205 : memref<15616xf32, #tpu.memory_space<vmem_shared>>)
      %add3A_210 = arith.constant 15616 : i32
      %add3A_211 = arith.addi %mul3A_2, %add3A_210 : i32
      %dma_wait3A_212 = tpu.memref_slice %arg15[%add3A_211] : memref<1000064xf32, #tpu.memory_space<vmem_shared>> -> memref<15616xf32, #tpu.memory_space<vmem_shared>>
      %dma_wait3A_213 = arith.constant 0 : i32
      %dma_wait3A_214 = tpu.memref_slice %arg5[%add3A_41, %dma_wait3A_213] : memref<32x1000000xf32, #tpu.memory_space<hbm>> -> memref<1x1000000xf32, #tpu.memory_space<hbm>>
      %dma_wait3A_215 = tpu.memref_squeeze %dma_wait3A_214 : memref<1x1000000xf32, #tpu.memory_space<hbm>> -> memref<1000000xf32, #tpu.memory_space<hbm>>
      %dma_wait3A_216 = tpu.memref_slice %dma_wait3A_215[%add3A_211] : memref<1000000xf32, #tpu.memory_space<hbm>> -> memref<15616xf32, #tpu.memory_space<hbm>>
      tpu.wait_dma2 semaphore(%arg17 : memref<!tpu.dma_semaphore, #tpu.memory_space<semaphore_mem>>) src(%dma_wait3A_216 : memref<15616xf32, #tpu.memory_space<hbm>>) dst(%dma_wait3A_212 : memref<15616xf32, #tpu.memory_space<vmem_shared>>)
      %add3A_217 = arith.constant 31232 : i32
      %add3A_218 = arith.addi %mul3A_2, %add3A_217 : i32
      %dma_wait3A_219 = tpu.memref_slice %arg15[%add3A_218] : memref<1000064xf32, #tpu.memory_space<vmem_shared>> -> memref<15616xf32, #tpu.memory_space<vmem_shared>>
      %dma_wait3A_220 = arith.constant 0 : i32
      %dma_wait3A_221 = tpu.memref_slice %arg5[%add3A_41, %dma_wait3A_220] : memref<32x1000000xf32, #tpu.memory_space<hbm>> -> memref<1x1000000xf32, #tpu.memory_space<hbm>>
      %dma_wait3A_222 = tpu.memref_squeeze %dma_wait3A_221 : memref<1x1000000xf32, #tpu.memory_space<hbm>> -> memref<1000000xf32, #tpu.memory_space<hbm>>
      %dma_wait3A_223 = tpu.memref_slice %dma_wait3A_222[%add3A_218] : memref<1000000xf32, #tpu.memory_space<hbm>> -> memref<15616xf32, #tpu.memory_space<hbm>>
      tpu.wait_dma2 semaphore(%arg17 : memref<!tpu.dma_semaphore, #tpu.memory_space<semaphore_mem>>) src(%dma_wait3A_223 : memref<15616xf32, #tpu.memory_space<hbm>>) dst(%dma_wait3A_219 : memref<15616xf32, #tpu.memory_space<vmem_shared>>)
      %add3A_224 = arith.constant 46848 : i32
      %add3A_225 = arith.addi %mul3A_2, %add3A_224 : i32
      %dma_wait3A_226 = tpu.memref_slice %arg15[%add3A_225] : memref<1000064xf32, #tpu.memory_space<vmem_shared>> -> memref<15616xf32, #tpu.memory_space<vmem_shared>>
      %dma_wait3A_227 = arith.constant 0 : i32
      %dma_wait3A_228 = tpu.memref_slice %arg5[%add3A_41, %dma_wait3A_227] : memref<32x1000000xf32, #tpu.memory_space<hbm>> -> memref<1x1000000xf32, #tpu.memory_space<hbm>>
      %dma_wait3A_229 = tpu.memref_squeeze %dma_wait3A_228 : memref<1x1000000xf32, #tpu.memory_space<hbm>> -> memref<1000000xf32, #tpu.memory_space<hbm>>
      %dma_wait3A_230 = tpu.memref_slice %dma_wait3A_229[%add3A_225] : memref<1000000xf32, #tpu.memory_space<hbm>> -> memref<15616xf32, #tpu.memory_space<hbm>>
      tpu.wait_dma2 semaphore(%arg17 : memref<!tpu.dma_semaphore, #tpu.memory_space<semaphore_mem>>) src(%dma_wait3A_230 : memref<15616xf32, #tpu.memory_space<hbm>>) dst(%dma_wait3A_226 : memref<15616xf32, #tpu.memory_space<vmem_shared>>)
      %eq3A_231 = arith.constant 15 : i32
      %eq3A_232 = arith.cmpi eq, %arg1, %eq3A_231 : i32
      %convert_element_type3A_233 = arith.extui %eq3A_232 : i1 to i32
      %cond3A_234 = arith.constant 0 : i32
      %cond3A_235 = arith.cmpi ne, %convert_element_type3A_233, %cond3A_234 : i32
      scf.if %cond3A_235 {
        %dma_wait3A_337 = arith.constant 999424 : i32
        %dma_wait3A_338 = tpu.memref_slice %arg15[%dma_wait3A_337] : memref<1000064xf32, #tpu.memory_space<vmem_shared>> -> memref<640xf32, #tpu.memory_space<vmem_shared>>
        %dma_wait3A_339 = arith.constant 0 : i32
        %dma_wait3A_340 = tpu.memref_slice %arg7[%add3A_41, %dma_wait3A_339] : memref<32x640xf32, #tpu.memory_space<hbm>> -> memref<1x640xf32, #tpu.memory_space<hbm>>
        %dma_wait3A_341 = tpu.memref_squeeze %dma_wait3A_340 : memref<1x640xf32, #tpu.memory_space<hbm>> -> memref<640xf32, #tpu.memory_space<hbm>>
        tpu.wait_dma2 semaphore(%arg17 : memref<!tpu.dma_semaphore, #tpu.memory_space<semaphore_mem>>) src(%dma_wait3A_341 : memref<640xf32, #tpu.memory_space<hbm>>) dst(%dma_wait3A_338 : memref<640xf32, #tpu.memory_space<vmem_shared>>)
      } else {
      }
      %barrier3A_236 = arith.constant 0 : index
      tpu.barrier barrier_id(%barrier3A_236)
      %lt3A = arith.constant 15 : i32
      %lt3A_237 = arith.cmpi slt, %scan3A_38, %lt3A : i32
      %convert_element_type3A_238 = arith.extui %lt3A_237 : i1 to i32
      %cond3A_239 = arith.constant 0 : i32
      %cond3A_240 = arith.cmpi ne, %convert_element_type3A_238, %cond3A_239 : i32
      scf.if %cond3A_240 {
        %add3A_337 = arith.constant 1 : i32
        %add3A_338 = arith.addi %add3A_41, %add3A_337 : i32
        %add3A_339 = arith.constant 0 : i32
        %add3A_340 = arith.addi %mul3A_2, %add3A_339 : i32
        %dma_start3A_341 = tpu.memref_slice %arg14[%add3A_340] : memref<1000064xf32, #tpu.memory_space<vmem_shared>> -> memref<15616xf32, #tpu.memory_space<vmem_shared>>
        %dma_start3A_342 = arith.constant 0 : i32
        %dma_start3A_343 = tpu.memref_slice %arg4[%add3A_338, %dma_start3A_342] : memref<32x1000000xf32, #tpu.memory_space<hbm>> -> memref<1x1000000xf32, #tpu.memory_space<hbm>>
        %dma_start3A_344 = tpu.memref_squeeze %dma_start3A_343 : memref<1x1000000xf32, #tpu.memory_space<hbm>> -> memref<1000000xf32, #tpu.memory_space<hbm>>
        %dma_start3A_345 = tpu.memref_slice %dma_start3A_344[%add3A_340] : memref<1000000xf32, #tpu.memory_space<hbm>> -> memref<15616xf32, #tpu.memory_space<hbm>>
        tpu.enqueue_dma source(%dma_start3A_345 : memref<15616xf32, #tpu.memory_space<hbm>>) target(%dma_start3A_341 : memref<15616xf32, #tpu.memory_space<vmem_shared>>) target_semaphore(%arg16 : memref<!tpu.dma_semaphore, #tpu.memory_space<semaphore_mem>>)
        %add3A_346 = arith.constant 15616 : i32
        %add3A_347 = arith.addi %mul3A_2, %add3A_346 : i32
        %dma_start3A_348 = tpu.memref_slice %arg14[%add3A_347] : memref<1000064xf32, #tpu.memory_space<vmem_shared>> -> memref<15616xf32, #tpu.memory_space<vmem_shared>>
        %dma_start3A_349 = arith.constant 0 : i32
        %dma_start3A_350 = tpu.memref_slice %arg4[%add3A_338, %dma_start3A_349] : memref<32x1000000xf32, #tpu.memory_space<hbm>> -> memref<1x1000000xf32, #tpu.memory_space<hbm>>
        %dma_start3A_351 = tpu.memref_squeeze %dma_start3A_350 : memref<1x1000000xf32, #tpu.memory_space<hbm>> -> memref<1000000xf32, #tpu.memory_space<hbm>>
        %dma_start3A_352 = tpu.memref_slice %dma_start3A_351[%add3A_347] : memref<1000000xf32, #tpu.memory_space<hbm>> -> memref<15616xf32, #tpu.memory_space<hbm>>
        tpu.enqueue_dma source(%dma_start3A_352 : memref<15616xf32, #tpu.memory_space<hbm>>) target(%dma_start3A_348 : memref<15616xf32, #tpu.memory_space<vmem_shared>>) target_semaphore(%arg16 : memref<!tpu.dma_semaphore, #tpu.memory_space<semaphore_mem>>)
        %add3A_353 = arith.constant 31232 : i32
        %add3A_354 = arith.addi %mul3A_2, %add3A_353 : i32
        %dma_start3A_355 = tpu.memref_slice %arg14[%add3A_354] : memref<1000064xf32, #tpu.memory_space<vmem_shared>> -> memref<15616xf32, #tpu.memory_space<vmem_shared>>
        %dma_start3A_356 = arith.constant 0 : i32
        %dma_start3A_357 = tpu.memref_slice %arg4[%add3A_338, %dma_start3A_356] : memref<32x1000000xf32, #tpu.memory_space<hbm>> -> memref<1x1000000xf32, #tpu.memory_space<hbm>>
        %dma_start3A_358 = tpu.memref_squeeze %dma_start3A_357 : memref<1x1000000xf32, #tpu.memory_space<hbm>> -> memref<1000000xf32, #tpu.memory_space<hbm>>
        %dma_start3A_359 = tpu.memref_slice %dma_start3A_358[%add3A_354] : memref<1000000xf32, #tpu.memory_space<hbm>> -> memref<15616xf32, #tpu.memory_space<hbm>>
        tpu.enqueue_dma source(%dma_start3A_359 : memref<15616xf32, #tpu.memory_space<hbm>>) target(%dma_start3A_355 : memref<15616xf32, #tpu.memory_space<vmem_shared>>) target_semaphore(%arg16 : memref<!tpu.dma_semaphore, #tpu.memory_space<semaphore_mem>>)
        %add3A_360 = arith.constant 46848 : i32
        %add3A_361 = arith.addi %mul3A_2, %add3A_360 : i32
        %dma_start3A_362 = tpu.memref_slice %arg14[%add3A_361] : memref<1000064xf32, #tpu.memory_space<vmem_shared>> -> memref<15616xf32, #tpu.memory_space<vmem_shared>>
        %dma_start3A_363 = arith.constant 0 : i32
        %dma_start3A_364 = tpu.memref_slice %arg4[%add3A_338, %dma_start3A_363] : memref<32x1000000xf32, #tpu.memory_space<hbm>> -> memref<1x1000000xf32, #tpu.memory_space<hbm>>
        %dma_start3A_365 = tpu.memref_squeeze %dma_start3A_364 : memref<1x1000000xf32, #tpu.memory_space<hbm>> -> memref<1000000xf32, #tpu.memory_space<hbm>>
        %dma_start3A_366 = tpu.memref_slice %dma_start3A_365[%add3A_361] : memref<1000000xf32, #tpu.memory_space<hbm>> -> memref<15616xf32, #tpu.memory_space<hbm>>
        tpu.enqueue_dma source(%dma_start3A_366 : memref<15616xf32, #tpu.memory_space<hbm>>) target(%dma_start3A_362 : memref<15616xf32, #tpu.memory_space<vmem_shared>>) target_semaphore(%arg16 : memref<!tpu.dma_semaphore, #tpu.memory_space<semaphore_mem>>)
        %eq3A_367 = arith.constant 15 : i32
        %eq3A_368 = arith.cmpi eq, %arg1, %eq3A_367 : i32
        %convert_element_type3A_369 = arith.extui %eq3A_368 : i1 to i32
        %cond3A_370 = arith.constant 0 : i32
        %cond3A_371 = arith.cmpi ne, %convert_element_type3A_369, %cond3A_370 : i32
        scf.if %cond3A_371 {
          %dma_start3A_372 = arith.constant 999424 : i32
          %dma_start3A_373 = tpu.memref_slice %arg14[%dma_start3A_372] : memref<1000064xf32, #tpu.memory_space<vmem_shared>> -> memref<640xf32, #tpu.memory_space<vmem_shared>>
          %dma_start3A_374 = arith.constant 0 : i32
          %dma_start3A_375 = tpu.memref_slice %arg6[%add3A_338, %dma_start3A_374] : memref<32x640xf32, #tpu.memory_space<hbm>> -> memref<1x640xf32, #tpu.memory_space<hbm>>
          %dma_start3A_376 = tpu.memref_squeeze %dma_start3A_375 : memref<1x640xf32, #tpu.memory_space<hbm>> -> memref<640xf32, #tpu.memory_space<hbm>>
          tpu.enqueue_dma source(%dma_start3A_376 : memref<640xf32, #tpu.memory_space<hbm>>) target(%dma_start3A_373 : memref<640xf32, #tpu.memory_space<vmem_shared>>) target_semaphore(%arg16 : memref<!tpu.dma_semaphore, #tpu.memory_space<semaphore_mem>>)
        } else {
        }
      } else {
      }
      %dma_start3A_241 = arith.constant 0 : i32
      %dma_start3A_242 = tpu.memref_slice %arg13[%dma_start3A_241] : memref<1024xf32, #tpu.memory_space<vmem>> -> memref<128xf32, #tpu.memory_space<vmem>>
      %dma_start3A_243 = arith.constant 0 : i32
      %dma_start3A_244 = tpu.memref_slice %arg11[%dma_start3A_243] : memref<1024xi32, #tpu.memory_space<vmem>> -> memref<128xi32, #tpu.memory_space<vmem>>
      %dma_start3A_245 = arith.constant 0 : i32
      %dma_start3A_246 = tpu.memref_slice %arg15[%dma_start3A_245] : memref<1000064xf32, #tpu.memory_space<vmem_shared>> -> memref<1000064xf32, #tpu.memory_space<vmem_shared>>
      tpu.enqueue_indirect_dma source(%dma_start3A_246 : memref<1000064xf32, #tpu.memory_space<vmem_shared>>) target(%dma_start3A_242 : memref<128xf32, #tpu.memory_space<vmem>>) offsets(%dma_start3A_244 : memref<128xi32, #tpu.memory_space<vmem>>) semaphore(%arg18 : memref<!tpu.dma_semaphore, #tpu.memory_space<semaphore_mem>>)
      %dma_start3A_247 = arith.constant 128 : i32
      %dma_start3A_248 = tpu.memref_slice %arg13[%dma_start3A_247] : memref<1024xf32, #tpu.memory_space<vmem>> -> memref<128xf32, #tpu.memory_space<vmem>>
      %dma_start3A_249 = arith.constant 128 : i32
      %dma_start3A_250 = tpu.memref_slice %arg11[%dma_start3A_249] : memref<1024xi32, #tpu.memory_space<vmem>> -> memref<128xi32, #tpu.memory_space<vmem>>
      %dma_start3A_251 = arith.constant 0 : i32
      %dma_start3A_252 = tpu.memref_slice %arg15[%dma_start3A_251] : memref<1000064xf32, #tpu.memory_space<vmem_shared>> -> memref<1000064xf32, #tpu.memory_space<vmem_shared>>
      tpu.enqueue_indirect_dma source(%dma_start3A_252 : memref<1000064xf32, #tpu.memory_space<vmem_shared>>) target(%dma_start3A_248 : memref<128xf32, #tpu.memory_space<vmem>>) offsets(%dma_start3A_250 : memref<128xi32, #tpu.memory_space<vmem>>) semaphore(%arg18 : memref<!tpu.dma_semaphore, #tpu.memory_space<semaphore_mem>>)
      %dma_start3A_253 = arith.constant 256 : i32
      %dma_start3A_254 = tpu.memref_slice %arg13[%dma_start3A_253] : memref<1024xf32, #tpu.memory_space<vmem>> -> memref<128xf32, #tpu.memory_space<vmem>>
      %dma_start3A_255 = arith.constant 256 : i32
      %dma_start3A_256 = tpu.memref_slice %arg11[%dma_start3A_255] : memref<1024xi32, #tpu.memory_space<vmem>> -> memref<128xi32, #tpu.memory_space<vmem>>
      %dma_start3A_257 = arith.constant 0 : i32
      %dma_start3A_258 = tpu.memref_slice %arg15[%dma_start3A_257] : memref<1000064xf32, #tpu.memory_space<vmem_shared>> -> memref<1000064xf32, #tpu.memory_space<vmem_shared>>
      tpu.enqueue_indirect_dma source(%dma_start3A_258 : memref<1000064xf32, #tpu.memory_space<vmem_shared>>) target(%dma_start3A_254 : memref<128xf32, #tpu.memory_space<vmem>>) offsets(%dma_start3A_256 : memref<128xi32, #tpu.memory_space<vmem>>) semaphore(%arg18 : memref<!tpu.dma_semaphore, #tpu.memory_space<semaphore_mem>>)
      %dma_start3A_259 = arith.constant 384 : i32
      %dma_start3A_260 = tpu.memref_slice %arg13[%dma_start3A_259] : memref<1024xf32, #tpu.memory_space<vmem>> -> memref<128xf32, #tpu.memory_space<vmem>>
      %dma_start3A_261 = arith.constant 384 : i32
      %dma_start3A_262 = tpu.memref_slice %arg11[%dma_start3A_261] : memref<1024xi32, #tpu.memory_space<vmem>> -> memref<128xi32, #tpu.memory_space<vmem>>
      %dma_start3A_263 = arith.constant 0 : i32
      %dma_start3A_264 = tpu.memref_slice %arg15[%dma_start3A_263] : memref<1000064xf32, #tpu.memory_space<vmem_shared>> -> memref<1000064xf32, #tpu.memory_space<vmem_shared>>
      tpu.enqueue_indirect_dma source(%dma_start3A_264 : memref<1000064xf32, #tpu.memory_space<vmem_shared>>) target(%dma_start3A_260 : memref<128xf32, #tpu.memory_space<vmem>>) offsets(%dma_start3A_262 : memref<128xi32, #tpu.memory_space<vmem>>) semaphore(%arg18 : memref<!tpu.dma_semaphore, #tpu.memory_space<semaphore_mem>>)
      %dma_start3A_265 = arith.constant 512 : i32
      %dma_start3A_266 = tpu.memref_slice %arg13[%dma_start3A_265] : memref<1024xf32, #tpu.memory_space<vmem>> -> memref<128xf32, #tpu.memory_space<vmem>>
      %dma_start3A_267 = arith.constant 512 : i32
      %dma_start3A_268 = tpu.memref_slice %arg11[%dma_start3A_267] : memref<1024xi32, #tpu.memory_space<vmem>> -> memref<128xi32, #tpu.memory_space<vmem>>
      %dma_start3A_269 = arith.constant 0 : i32
      %dma_start3A_270 = tpu.memref_slice %arg15[%dma_start3A_269] : memref<1000064xf32, #tpu.memory_space<vmem_shared>> -> memref<1000064xf32, #tpu.memory_space<vmem_shared>>
      tpu.enqueue_indirect_dma source(%dma_start3A_270 : memref<1000064xf32, #tpu.memory_space<vmem_shared>>) target(%dma_start3A_266 : memref<128xf32, #tpu.memory_space<vmem>>) offsets(%dma_start3A_268 : memref<128xi32, #tpu.memory_space<vmem>>) semaphore(%arg18 : memref<!tpu.dma_semaphore, #tpu.memory_space<semaphore_mem>>)
      %dma_start3A_271 = arith.constant 640 : i32
      %dma_start3A_272 = tpu.memref_slice %arg13[%dma_start3A_271] : memref<1024xf32, #tpu.memory_space<vmem>> -> memref<128xf32, #tpu.memory_space<vmem>>
      %dma_start3A_273 = arith.constant 640 : i32
      %dma_start3A_274 = tpu.memref_slice %arg11[%dma_start3A_273] : memref<1024xi32, #tpu.memory_space<vmem>> -> memref<128xi32, #tpu.memory_space<vmem>>
      %dma_start3A_275 = arith.constant 0 : i32
      %dma_start3A_276 = tpu.memref_slice %arg15[%dma_start3A_275] : memref<1000064xf32, #tpu.memory_space<vmem_shared>> -> memref<1000064xf32, #tpu.memory_space<vmem_shared>>
      tpu.enqueue_indirect_dma source(%dma_start3A_276 : memref<1000064xf32, #tpu.memory_space<vmem_shared>>) target(%dma_start3A_272 : memref<128xf32, #tpu.memory_space<vmem>>) offsets(%dma_start3A_274 : memref<128xi32, #tpu.memory_space<vmem>>) semaphore(%arg18 : memref<!tpu.dma_semaphore, #tpu.memory_space<semaphore_mem>>)
      %dma_start3A_277 = arith.constant 768 : i32
      %dma_start3A_278 = tpu.memref_slice %arg13[%dma_start3A_277] : memref<1024xf32, #tpu.memory_space<vmem>> -> memref<128xf32, #tpu.memory_space<vmem>>
      %dma_start3A_279 = arith.constant 768 : i32
      %dma_start3A_280 = tpu.memref_slice %arg11[%dma_start3A_279] : memref<1024xi32, #tpu.memory_space<vmem>> -> memref<128xi32, #tpu.memory_space<vmem>>
      %dma_start3A_281 = arith.constant 0 : i32
      %dma_start3A_282 = tpu.memref_slice %arg15[%dma_start3A_281] : memref<1000064xf32, #tpu.memory_space<vmem_shared>> -> memref<1000064xf32, #tpu.memory_space<vmem_shared>>
      tpu.enqueue_indirect_dma source(%dma_start3A_282 : memref<1000064xf32, #tpu.memory_space<vmem_shared>>) target(%dma_start3A_278 : memref<128xf32, #tpu.memory_space<vmem>>) offsets(%dma_start3A_280 : memref<128xi32, #tpu.memory_space<vmem>>) semaphore(%arg18 : memref<!tpu.dma_semaphore, #tpu.memory_space<semaphore_mem>>)
      %dma_start3A_283 = arith.constant 896 : i32
      %dma_start3A_284 = tpu.memref_slice %arg13[%dma_start3A_283] : memref<1024xf32, #tpu.memory_space<vmem>> -> memref<128xf32, #tpu.memory_space<vmem>>
      %dma_start3A_285 = arith.constant 896 : i32
      %dma_start3A_286 = tpu.memref_slice %arg11[%dma_start3A_285] : memref<1024xi32, #tpu.memory_space<vmem>> -> memref<128xi32, #tpu.memory_space<vmem>>
      %dma_start3A_287 = arith.constant 0 : i32
      %dma_start3A_288 = tpu.memref_slice %arg15[%dma_start3A_287] : memref<1000064xf32, #tpu.memory_space<vmem_shared>> -> memref<1000064xf32, #tpu.memory_space<vmem_shared>>
      tpu.enqueue_indirect_dma source(%dma_start3A_288 : memref<1000064xf32, #tpu.memory_space<vmem_shared>>) target(%dma_start3A_284 : memref<128xf32, #tpu.memory_space<vmem>>) offsets(%dma_start3A_286 : memref<128xi32, #tpu.memory_space<vmem>>) semaphore(%arg18 : memref<!tpu.dma_semaphore, #tpu.memory_space<semaphore_mem>>)
      %dma_wait3A_289 = arith.constant 0 : i32
      %dma_wait3A_290 = tpu.memref_slice %arg13[%dma_wait3A_289] : memref<1024xf32, #tpu.memory_space<vmem>> -> memref<128xf32, #tpu.memory_space<vmem>>
      %dma_wait3A_291 = arith.constant 0 : i32
      %dma_wait3A_292 = tpu.memref_slice %arg11[%dma_wait3A_291] : memref<1024xi32, #tpu.memory_space<vmem>> -> memref<128xi32, #tpu.memory_space<vmem>>
      %dma_wait3A_293 = arith.constant 0 : i32
      %dma_wait3A_294 = tpu.memref_slice %arg15[%dma_wait3A_293] : memref<1000064xf32, #tpu.memory_space<vmem_shared>> -> memref<1000064xf32, #tpu.memory_space<vmem_shared>>
      tpu.wait_indirect_dma semaphore(%arg18 : memref<!tpu.dma_semaphore, #tpu.memory_space<semaphore_mem>>) src(%dma_wait3A_294 : memref<1000064xf32, #tpu.memory_space<vmem_shared>>) dst(%dma_wait3A_290 : memref<128xf32, #tpu.memory_space<vmem>>)
      %dma_wait3A_295 = arith.constant 128 : i32
      %dma_wait3A_296 = tpu.memref_slice %arg13[%dma_wait3A_295] : memref<1024xf32, #tpu.memory_space<vmem>> -> memref<128xf32, #tpu.memory_space<vmem>>
      %dma_wait3A_297 = arith.constant 128 : i32
      %dma_wait3A_298 = tpu.memref_slice %arg11[%dma_wait3A_297] : memref<1024xi32, #tpu.memory_space<vmem>> -> memref<128xi32, #tpu.memory_space<vmem>>
      %dma_wait3A_299 = arith.constant 0 : i32
      %dma_wait3A_300 = tpu.memref_slice %arg15[%dma_wait3A_299] : memref<1000064xf32, #tpu.memory_space<vmem_shared>> -> memref<1000064xf32, #tpu.memory_space<vmem_shared>>
      tpu.wait_indirect_dma semaphore(%arg18 : memref<!tpu.dma_semaphore, #tpu.memory_space<semaphore_mem>>) src(%dma_wait3A_300 : memref<1000064xf32, #tpu.memory_space<vmem_shared>>) dst(%dma_wait3A_296 : memref<128xf32, #tpu.memory_space<vmem>>)
      %dma_wait3A_301 = arith.constant 256 : i32
      %dma_wait3A_302 = tpu.memref_slice %arg13[%dma_wait3A_301] : memref<1024xf32, #tpu.memory_space<vmem>> -> memref<128xf32, #tpu.memory_space<vmem>>
      %dma_wait3A_303 = arith.constant 256 : i32
      %dma_wait3A_304 = tpu.memref_slice %arg11[%dma_wait3A_303] : memref<1024xi32, #tpu.memory_space<vmem>> -> memref<128xi32, #tpu.memory_space<vmem>>
      %dma_wait3A_305 = arith.constant 0 : i32
      %dma_wait3A_306 = tpu.memref_slice %arg15[%dma_wait3A_305] : memref<1000064xf32, #tpu.memory_space<vmem_shared>> -> memref<1000064xf32, #tpu.memory_space<vmem_shared>>
      tpu.wait_indirect_dma semaphore(%arg18 : memref<!tpu.dma_semaphore, #tpu.memory_space<semaphore_mem>>) src(%dma_wait3A_306 : memref<1000064xf32, #tpu.memory_space<vmem_shared>>) dst(%dma_wait3A_302 : memref<128xf32, #tpu.memory_space<vmem>>)
      %dma_wait3A_307 = arith.constant 384 : i32
      %dma_wait3A_308 = tpu.memref_slice %arg13[%dma_wait3A_307] : memref<1024xf32, #tpu.memory_space<vmem>> -> memref<128xf32, #tpu.memory_space<vmem>>
      %dma_wait3A_309 = arith.constant 384 : i32
      %dma_wait3A_310 = tpu.memref_slice %arg11[%dma_wait3A_309] : memref<1024xi32, #tpu.memory_space<vmem>> -> memref<128xi32, #tpu.memory_space<vmem>>
      %dma_wait3A_311 = arith.constant 0 : i32
      %dma_wait3A_312 = tpu.memref_slice %arg15[%dma_wait3A_311] : memref<1000064xf32, #tpu.memory_space<vmem_shared>> -> memref<1000064xf32, #tpu.memory_space<vmem_shared>>
      tpu.wait_indirect_dma semaphore(%arg18 : memref<!tpu.dma_semaphore, #tpu.memory_space<semaphore_mem>>) src(%dma_wait3A_312 : memref<1000064xf32, #tpu.memory_space<vmem_shared>>) dst(%dma_wait3A_308 : memref<128xf32, #tpu.memory_space<vmem>>)
      %dma_wait3A_313 = arith.constant 512 : i32
      %dma_wait3A_314 = tpu.memref_slice %arg13[%dma_wait3A_313] : memref<1024xf32, #tpu.memory_space<vmem>> -> memref<128xf32, #tpu.memory_space<vmem>>
      %dma_wait3A_315 = arith.constant 512 : i32
      %dma_wait3A_316 = tpu.memref_slice %arg11[%dma_wait3A_315] : memref<1024xi32, #tpu.memory_space<vmem>> -> memref<128xi32, #tpu.memory_space<vmem>>
      %dma_wait3A_317 = arith.constant 0 : i32
      %dma_wait3A_318 = tpu.memref_slice %arg15[%dma_wait3A_317] : memref<1000064xf32, #tpu.memory_space<vmem_shared>> -> memref<1000064xf32, #tpu.memory_space<vmem_shared>>
      tpu.wait_indirect_dma semaphore(%arg18 : memref<!tpu.dma_semaphore, #tpu.memory_space<semaphore_mem>>) src(%dma_wait3A_318 : memref<1000064xf32, #tpu.memory_space<vmem_shared>>) dst(%dma_wait3A_314 : memref<128xf32, #tpu.memory_space<vmem>>)
      %dma_wait3A_319 = arith.constant 640 : i32
      %dma_wait3A_320 = tpu.memref_slice %arg13[%dma_wait3A_319] : memref<1024xf32, #tpu.memory_space<vmem>> -> memref<128xf32, #tpu.memory_space<vmem>>
      %dma_wait3A_321 = arith.constant 640 : i32
      %dma_wait3A_322 = tpu.memref_slice %arg11[%dma_wait3A_321] : memref<1024xi32, #tpu.memory_space<vmem>> -> memref<128xi32, #tpu.memory_space<vmem>>
      %dma_wait3A_323 = arith.constant 0 : i32
      %dma_wait3A_324 = tpu.memref_slice %arg15[%dma_wait3A_323] : memref<1000064xf32, #tpu.memory_space<vmem_shared>> -> memref<1000064xf32, #tpu.memory_space<vmem_shared>>
      tpu.wait_indirect_dma semaphore(%arg18 : memref<!tpu.dma_semaphore, #tpu.memory_space<semaphore_mem>>) src(%dma_wait3A_324 : memref<1000064xf32, #tpu.memory_space<vmem_shared>>) dst(%dma_wait3A_320 : memref<128xf32, #tpu.memory_space<vmem>>)
      %dma_wait3A_325 = arith.constant 768 : i32
      %dma_wait3A_326 = tpu.memref_slice %arg13[%dma_wait3A_325] : memref<1024xf32, #tpu.memory_space<vmem>> -> memref<128xf32, #tpu.memory_space<vmem>>
      %dma_wait3A_327 = arith.constant 768 : i32
      %dma_wait3A_328 = tpu.memref_slice %arg11[%dma_wait3A_327] : memref<1024xi32, #tpu.memory_space<vmem>> -> memref<128xi32, #tpu.memory_space<vmem>>
      %dma_wait3A_329 = arith.constant 0 : i32
      %dma_wait3A_330 = tpu.memref_slice %arg15[%dma_wait3A_329] : memref<1000064xf32, #tpu.memory_space<vmem_shared>> -> memref<1000064xf32, #tpu.memory_space<vmem_shared>>
      tpu.wait_indirect_dma semaphore(%arg18 : memref<!tpu.dma_semaphore, #tpu.memory_space<semaphore_mem>>) src(%dma_wait3A_330 : memref<1000064xf32, #tpu.memory_space<vmem_shared>>) dst(%dma_wait3A_326 : memref<128xf32, #tpu.memory_space<vmem>>)
      %dma_wait3A_331 = arith.constant 896 : i32
      %dma_wait3A_332 = tpu.memref_slice %arg13[%dma_wait3A_331] : memref<1024xf32, #tpu.memory_space<vmem>> -> memref<128xf32, #tpu.memory_space<vmem>>
      %dma_wait3A_333 = arith.constant 896 : i32
      %dma_wait3A_334 = tpu.memref_slice %arg11[%dma_wait3A_333] : memref<1024xi32, #tpu.memory_space<vmem>> -> memref<128xi32, #tpu.memory_space<vmem>>
      %dma_wait3A_335 = arith.constant 0 : i32
      %dma_wait3A_336 = tpu.memref_slice %arg15[%dma_wait3A_335] : memref<1000064xf32, #tpu.memory_space<vmem_shared>> -> memref<1000064xf32, #tpu.memory_space<vmem_shared>>
      tpu.wait_indirect_dma semaphore(%arg18 : memref<!tpu.dma_semaphore, #tpu.memory_space<semaphore_mem>>) src(%dma_wait3A_336 : memref<1000064xf32, #tpu.memory_space<vmem_shared>>) dst(%dma_wait3A_332 : memref<128xf32, #tpu.memory_space<vmem>>)
      "tpu.region"() ({
        %run_scoped3A = tpu.sem_alloc : memref<!tpu.dma_semaphore, #tpu.memory_space<semaphore_mem>>
        %dma_start3A_337 = arith.constant 0 : i32
        %dma_start3A_338 = tpu.memref_slice %arg9[%add3A_41, %dma_start3A_337] : memref<32x16384xf32, #tpu.memory_space<hbm>> -> memref<1x16384xf32, #tpu.memory_space<hbm>>
        %dma_start3A_339 = tpu.memref_squeeze %dma_start3A_338 : memref<1x16384xf32, #tpu.memory_space<hbm>> -> memref<16384xf32, #tpu.memory_space<hbm>>
        %dma_start3A_340 = tpu.memref_slice %dma_start3A_339[%mul3A_0] : memref<16384xf32, #tpu.memory_space<hbm>> -> memref<1024xf32, #tpu.memory_space<hbm>>
        %dma_start3A_341 = arith.constant 0 : i32
        %dma_start3A_342 = tpu.memref_slice %arg9[%add3A_41, %dma_start3A_341] : memref<32x16384xf32, #tpu.memory_space<hbm>> -> memref<1x16384xf32, #tpu.memory_space<hbm>>
        %dma_start3A_343 = tpu.memref_squeeze %dma_start3A_342 : memref<1x16384xf32, #tpu.memory_space<hbm>> -> memref<16384xf32, #tpu.memory_space<hbm>>
        %dma_start3A_344 = tpu.memref_slice %dma_start3A_343[%mul3A_0] : memref<16384xf32, #tpu.memory_space<hbm>> -> memref<1024xf32, #tpu.memory_space<hbm>>
        tpu.enqueue_dma source(%arg13 : memref<1024xf32, #tpu.memory_space<vmem>>) target(%dma_start3A_344 : memref<1024xf32, #tpu.memory_space<hbm>>) target_semaphore(%run_scoped3A : memref<!tpu.dma_semaphore, #tpu.memory_space<semaphore_mem>>)
        %dma_wait3A_345 = arith.constant 0 : i32
        %dma_wait3A_346 = tpu.memref_slice %arg9[%add3A_41, %dma_wait3A_345] : memref<32x16384xf32, #tpu.memory_space<hbm>> -> memref<1x16384xf32, #tpu.memory_space<hbm>>
        %dma_wait3A_347 = tpu.memref_squeeze %dma_wait3A_346 : memref<1x16384xf32, #tpu.memory_space<hbm>> -> memref<16384xf32, #tpu.memory_space<hbm>>
        %dma_wait3A_348 = tpu.memref_slice %dma_wait3A_347[%mul3A_0] : memref<16384xf32, #tpu.memory_space<hbm>> -> memref<1024xf32, #tpu.memory_space<hbm>>
        %dma_wait3A_349 = arith.constant 0 : i32
        %dma_wait3A_350 = tpu.memref_slice %arg9[%add3A_41, %dma_wait3A_349] : memref<32x16384xf32, #tpu.memory_space<hbm>> -> memref<1x16384xf32, #tpu.memory_space<hbm>>
        %dma_wait3A_351 = tpu.memref_squeeze %dma_wait3A_350 : memref<1x16384xf32, #tpu.memory_space<hbm>> -> memref<16384xf32, #tpu.memory_space<hbm>>
        %dma_wait3A_352 = tpu.memref_slice %dma_wait3A_351[%mul3A_0] : memref<16384xf32, #tpu.memory_space<hbm>> -> memref<1024xf32, #tpu.memory_space<hbm>>
        tpu.wait_dma2 semaphore(%run_scoped3A : memref<!tpu.dma_semaphore, #tpu.memory_space<semaphore_mem>>) src(%arg13 : memref<1024xf32, #tpu.memory_space<vmem>>) dst(%dma_wait3A_352 : memref<1024xf32, #tpu.memory_space<hbm>>)
        tpu.yield
      }) : () -> ()
    }
    %scan3A_37 = arith.constant 16 : i32
    return
  }
}

</mosaic_0001>

<sc_bundles>
// kernel: kernel.3.cloned.1.call-start
scs
__scs_entry_jumppad:
0x0: {  	(pc) =	sbr.rel $0x88, $3  }
0x1: {  	(tag) =	ssettag $0x0;
	lr =	simm.s32 $0x1  }
0x2: {  	[smem:$0x3F9D] =	sst lr;
	_ =	strace $0xD0000000  }
0x3: {  	_ = 	snop  }
0x4: {  	_ = 	snop  }
0x5: {  	_ = 	snop  }
0x6: {  	_ = 	snop  }
0x7: {  	_ = 	snop  }
__scs_overlays_trampoline_lowered:
0x8: {  	[smem:$0x3FAC] =	sst s0  }
0x9: {  	[smem:$0x3FAD] =	sst s1  }
0xa: {  	[smem:$0x3FAE] =	sst s2  }
0xb: {  	[smem:$0x3FAF] =	sst s3  }
0xc: {  	[smem:$0x3FB0] =	sst s4  }
0xd: {  	[smem:$0x3FB1] =	sst s5  }
0xe: {  	[smem:$0x3FB2] =	sst s6  }
0xf: {  	[smem:$0x3FB3] =	sst s7  }
0x10: {  	[smem:$0x3FB4] =	sst s8  }
0x11: {  	[smem:$0x3FB5] =	sst s9;
	s0 =	simm.s32 @!p0 $0x0  }
0x12: {  	s1 =	sld [smem:$0x3F9B];
	s0 =	simm.s32 @p0 $0x1  }
0x13: {  	[smem:$0x3FB6] =	sst s0;
	s0 =	simm.s32 @!p1 $0x0  }
0x14: {  	s2 =	sld [smem:$0x3F9A];
	s0 =	simm.s32 @p1 $0x1  }
0x15: {  	[smem:$0x3FB7] =	sst s0;
	s0 =	simm.s32 @!p2 $0x0  }
0x16: {  	s3 =	sld [smem:$0x3FDB];
	s0 =	simm.s32 @p2 $0x1  }
0x17: {  	s4 =	simm.s32 $0x1BF5;
	[smem:$0x3FB9] =	sst s0  }
0x18: {  	s0 =	sld [smem:$0x3F9C];
	_ =	swait.ge [sflag:s4], $0x0  }
0x19: {  	s7 =	sld [smem:$0x3F9D]  }
0x1a: {  	s8 =	sadd.s32 $0xFFFFE003, lr  }
0x1b: {  	s9 =	sadd.s32 $0xFFFFFEF7, lr;
	s5 =	simm.s32 $0xFFFFFFFF;
	p2 =	slt.u32 s8, $0xFFFFF086  }
0x1c: {  	p1 =	slt.u32 s9, $0xF7A;
	s5 =	simm.s32 @!p2 $0x0  }
0x1d: {  	s5 =	simm.s32 @p1 $0x1;
	p0 =	seq.s32 s7, s2  }
0x1e: {  	s7 =	smul.u32 @!p0 $0xF7A, s2;
	p2 =	seq.s32 @!p0 s5, $0x0  }
0x1f: {  	s9 =	smul.u32 $0xF7A, s1;
	s8 =	simm.s32 @!p0 $0x1BF5;
	p2 =	por !p2, p0  }
0x20: {  	[sflag:s8] =	ssyncset.s32 @!p0 $0xFFFFF086;
	s6 =	sadd.s32 @!p0 s3, s7;
	s7 =	simm.s32 @!p0 $0x108  }
0x21: {  	s3 =	sadd.s32 s3, s9;
	s6 =	sadd.s32 @!p0 $0x88, s6;
	s7 =	simm.s32 @p2 $0x1082  }
0x22: {  	[simem:s7], [sflag:s8] =	dma.local @!p0 [hbm:s6], $0xF7A  }
0x23: {  	s9 =	sor.u32 $0xD0000000, s2;
	s6 =	simm.s32 $0x108;
	_ =	swait.ge @!p0 [sflag:s8], $0x0  }
0x24: {  	s3 =	sadd.s32 $0x88, s3;
	s6 =	simm.s32 @!p1 $0x1082;
	[sflag:s4] =	ssyncset.s32 $0xFFFFF086  }
0x25: {  	[simem:s6], [sflag:s4] =	dma.local [hbm:s3], $0xF7A  }
0x26: {  	[smem:$0x3F9D] =	sst s1;
	(tag) =	ssettag s2;
	_ =	strace s9  }
0x27: {  	s1 =	sld [smem:$0x3FAD]  }
0x28: {  	s2 =	sld [smem:$0x3FAE]  }
0x29: {  	s4 =	sld [smem:$0x3FB0]  }
0x2a: {  	p0 =	seq.s32 s5, $0x0;
	s5 =	sld [smem:$0x3FB1]  }
0x2b: {  	s6 =	sld [smem:$0x3FB2]  }
0x2c: {  	s7 =	sld [smem:$0x3FB3]  }
0x2d: {  	s3 =	simm.s32 $0x108;
	s8 =	sld [smem:$0x3FB4]  }
0x2e: {  	s3 =	simm.s32 @!p0 $0x1082;
	s9 =	sld [smem:$0x3FB5]  }
0x2f: {  	lr =	sadd.s32 s0, s3;
	s0 =	sld [smem:$0x3FAC]  }
0x30: {  	s3 =	sld [smem:$0x3FAF]  }
0x31: {  	[smem:$0x3FB8] =	sst s10  }
0x32: {  	s10 =	sld [smem:$0x3FB6];
	_ =	sdelay $0x3  }
0x33: {  	p0 =	seq.s32 s10, $0x1;
	s10 =	sld [smem:$0x3FB8];
	_ =	sdelay $0x3  }
0x34: {  	[smem:$0x3FB8] =	sst s10  }
0x35: {  	s10 =	sld [smem:$0x3FB7];
	_ =	sdelay $0x3  }
0x36: {  	p1 =	seq.s32 s10, $0x1;
	s10 =	sld [smem:$0x3FB8];
	_ =	sdelay $0x3  }
0x37: {  	[smem:$0x3FB8] =	sst s10  }
0x38: {  	s10 =	sld [smem:$0x3FB9]  }
0x39: {  	_ = 	snop;
	(pc) =	sbr.ind lr, $3  }
0x3a: {  	_ = 	snop  }
0x3b: {  	_ = 	snop  }
0x3c: {  	p2 =	seq.s32 s10, $0x1;
	s10 =	sld [smem:$0x3FB8]  }
0x3d: {  	_ =	shalt  }
0x3e: {  	_ =	shalt  }
0x3f: {  	_ =	shalt  }
0x40: {  	_ =	shalt  }
0x41: {  	_ =	shalt  }
0x42: {  	_ =	shalt  }
0x43: {  	_ =	shalt  }
0x44: {  	_ =	shalt  }
0x45: {  	_ =	shalt  }
0x46: {  	_ =	shalt  }
0x47: {  	_ =	shalt  }
0x48: {  	_ =	shalt  }
0x49: {  	_ =	shalt  }
0x4a: {  	_ =	shalt  }
0x4b: {  	_ =	shalt  }
0x4c: {  	_ =	shalt  }
0x4d: {  	_ =	shalt  }
0x4e: {  	_ =	shalt  }
0x4f: {  	_ =	shalt  }
0x50: {  	_ =	shalt  }
0x51: {  	_ =	shalt  }
0x52: {  	_ =	shalt  }
0x53: {  	_ =	shalt  }
0x54: {  	_ =	shalt  }
0x55: {  	_ =	shalt  }
0x56: {  	_ =	shalt  }
0x57: {  	_ =	shalt  }
0x58: {  	_ =	shalt  }
0x59: {  	_ =	shalt  }
0x5a: {  	_ =	shalt  }
0x5b: {  	_ =	shalt  }
0x5c: {  	_ =	shalt  }
0x5d: {  	_ =	shalt  }
0x5e: {  	_ =	shalt  }
0x5f: {  	_ =	shalt  }
0x60: {  	_ =	shalt  }
0x61: {  	_ =	shalt  }
0x62: {  	_ =	shalt  }
0x63: {  	_ =	shalt  }
0x64: {  	_ =	shalt  }
0x65: {  	_ =	shalt  }
0x66: {  	_ =	shalt  }
0x67: {  	_ =	shalt  }
0x68: {  	_ =	shalt  }
0x69: {  	_ =	shalt  }
0x6a: {  	_ =	shalt  }
0x6b: {  	_ =	shalt  }
0x6c: {  	_ =	shalt  }
0x6d: {  	_ =	shalt  }
0x6e: {  	_ =	shalt  }
0x6f: {  	_ =	shalt  }
0x70: {  	_ =	shalt  }
0x71: {  	_ =	shalt  }
0x72: {  	_ =	shalt  }
0x73: {  	_ =	shalt  }
0x74: {  	_ =	shalt  }
0x75: {  	_ =	shalt  }
0x76: {  	_ =	shalt  }
0x77: {  	_ =	shalt  }
0x78: {  	_ =	shalt  }
0x79: {  	_ =	shalt  }
0x7a: {  	_ =	shalt  }
0x7b: {  	_ =	shalt  }
0x7c: {  	_ =	shalt  }
0x7d: {  	_ =	shalt  }
0x7e: {  	_ =	shalt  }
0x7f: {  	_ =	shalt  }
0x80: {  	_ =	shalt  }
0x81: {  	_ =	shalt  }
0x82: {  	_ =	shalt  }
0x83: {  	_ =	shalt  }
0x84: {  	_ =	shalt  }
0x85: {  	_ =	shalt  }
0x86: {  	_ =	shalt  }
0x87: {  	_ =	shalt  }
.Lfunc_end0:
.L_simem_size_0:
called_computation_lowered:
.L_overlay_start_0:
0x88: {  	s2 =	sld [smem:$0x3FD9]  }
0x89: {  	s3 =	sld [smem:$0x3FFE];
	_ =	sdelay $0x1  }
0x8a: {  	s1 =	srdreg.scid  }
0x8b: {  	s0 =	sand.u32 $0x1, s1  }
0x8c: {  	s14 =	sshll.u32 s0, $0xA;
	s2 =	sadd.s32 s3, s2  }
0x8d: {  	s2 =	sadd.s32 s2, s14  }
0x8e: {  	[smem:$0x3FC4] =	sst s2  }
0x8f: {  	_ = 	snop  }
0x90: {  	s2 =	sld [smem:$0x3FC9]  }
0x91: {  	s15 =	sld [smem:$0x3FD0]  }
0x92: {  	s4 =	sld [smem:$0x3FC8]  }
0x93: {  	s5 =	sld [smem:$0x3FC7]  }
0x94: {  	s7 =	simm.s32 $0xA;
	s8 =	simm.s32 $0x10;
	s6 =	sld [smem:$0x3FC6]  }
0x95: {  	[smem:s8], [sflag:s7] =	dma.local [hbm:s15], $0x1  }
0x96: {  	_ =	swait.eq [sflag:s7], $0x1  }
0x97: {  	[sflag:s7] =	ssyncset.done $0x0  }
0x98: {  	s16 =	sld [smem:$0x10];
	[sflag:s7] =	ssyncadd.s32 $0xFFFFFFFF  }
0x99: {  	s17 =	sld [smem:$0x11];
	(tm) =	ssettm $0x1  }
0x9a: {  	s18 =	sld [smem:$0x3FFB];
	_ =	sdelay $0x3  }
0x9b: {  	_ =	strace s18  }
0x9c: {  	s8 =	sld [smem:$0x3FFC];
	_ =	sdelay $0x3  }
0x9d: {  	_ =	strace s8  }
0x9e: {  	s8 =	sld [smem:$0x3FFD];
	_ =	sdelay $0x3  }
0x9f: {  	_ =	strace s8  }
0xa0: {  	_ =	strace $0x8FFFFFFF  }
0xa1: {  	s19 =	sld [smem:$0x3FDB];
	_ =	sdelay $0x1  }
0xa2: {  	s9 =	simm.s32 $_scs_section_size  }
0xa3: {  	s10 =	simm.s32 $_size__tile_overlayer_lowered;
	s11 =	simm.s32 $_tile_overlayer_lowered  }
0xa4: {  	s22 =	simm.s32 $0x1BFF;
	s21 =	sshll.u32 s11, $0x1;
	s8 =	sadd.s32 s9, s19  }
0xa5: {  	s12 =	simm.s32 $0x0;
	s20 =	sshll.u32 s10, $0x1;
	s10 =	sadd.s32 s21, s8  }
0xa6: {  	[timem:s12], [sflag:s22] =	dma.local [hbm:s10], s20  }
0xa7: {  	_ =	swait.ge [sflag:s22], s20  }
0xa8: {  	s9 =	ssub.s32 $0x0, s20;
	[sflag:s22] =	ssyncset.done $0x0  }
0xa9: {  	[sflag:s22] =	ssyncadd.s32 s9;
	_ =	sdelay $0x1  }
0xaa: {  	s23 =	simm.s32 $0x1B8B  }
0xab: {  	_ =	swait.ge [sflag:s23], $0x1  }
0xac: {  	[sflag:s23] =	ssyncset.done $0x0  }
0xad: {  	s25 =	simm.s32 $0x1B8E;
	s24 =	sld [smem:$0x3FFE];
	[sflag:s23] =	ssyncadd.s32 $0xFFFFFFFF  }
0xae: {  	s26 =	simm.s32 $execute0_lowered;
	[smem:$0x3FD2] =	sst s25  }
0xaf: {  	s10 =	sshll.u32 s26, $0x1;
	_ =	strace $0x80000046;
	[dreg:$0x1] =	wrdreg $0xFFFFFFFF  }
0xb0: {  	s28 =	simm.s32 $_size_execute0_lowered;
	s8 =	sadd.s32 s8, s10;
	[dreg:$0x0] =	wrdreg $0x0  }
0xb1: {  	s10 =	sshll.u32 s28, $0x1;
	[dreg:$0x2] =	wrdreg s8  }
0xb2: {  	[dreg:$0x3] =	wrdreg s10  }
0xb3: {  	[dreg:$0x4] =	wrdreg $0xC0  }
0xb4: {  	_ =	task [dreg:s12], $0x5FFFF  }
0xb5: {  	[dreg:$0x1] =	wrdreg $0xFFFFFFFF  }
0xb6: {  	[dreg:$0x0] =	wrdreg $0x60  }
0xb7: {  	[dreg:$0x2] =	wrdreg s2  }
0xb8: {  	[dreg:$0x3] =	wrdreg s4  }
0xb9: {  	[dreg:$0x4] =	wrdreg s5  }
0xba: {  	[dreg:$0x5] =	wrdreg s6  }
0xbb: {  	[dreg:$0x6] =	wrdreg s24  }
0xbc: {  	[dreg:$0x7] =	wrdreg s16  }
0xbd: {  	[dreg:$0x8] =	wrdreg s17  }
0xbe: {  	[dreg:$0x9] =	wrdreg $0x10000  }
0xbf: {  	[dreg:$0xa] =	wrdreg $0x104280  }
0xc0: {  	[dreg:$0xb] =	wrdreg $0x9  }
0xc1: {  	_ =	task.clear_ibuf [dreg:s12], $0xCFFFF;
	_ =	strace $0x90000046  }
0xc2: {  	s29 =	simm.s32 $0x9;
	_ =	strace $0x80000048  }
0xc3: {  	_ =	swait.ge [sflag:s29], $0x1  }
0xc4: {  	[sflag:s29] =	ssyncadd.s32 $0xFFFFFFFF  }
0xc5: {  	_ =	strace $0x90000048  }
0xc6: {  	_ =	sfence  }
0xc7: {  	s30 =	sld [smem:$0x0];
	_ =	sdelay $0x2  }
0xc8: {  	s31 =	sshll.u32 s1, $0xD;
	s1 =	sshrl.u32 s1, $0x2  }
0xc9: {  	s3 =	sand.u32 $0x4000, s31;
	s1 =	sadd.s32 s1, s30  }
0xca: {  	s0 =	sor.u32 s3, s0;
	s1 =	sshll.u32 s1, $0x11  }
0xcb: {  	s0 =	sor.u32 s1, s0  }
0xcc: {  	s0 =	sadd.s32 $0x8F2B, s0  }
0xcd: {  	[sflag:s0] =	ssyncadd.remote.s32 $0x1  }
0xce: {  	_ =	sfence.sel $0xFFFF  }
0xcf: {  	[dreg:$0x0] =	wrdreg $0xFFFFFFFF;
	(pc) =	sbr.abs _section_cstart, $3  }
0xd0: {  	[dreg:$0x1] =	wrdreg $0xFFFFFFFF  }
0xd1: {  	_ =	task.clear_ibuf [dreg:s12], $0x2FFFF;
	_ =	strace $0x9FFFFFFF  }
0xd2: {  	(tm) =	ssettm $0x7FFFFFFF  }
0xd3: {  	_ =	shalt  }
tec
execute0_lowered:
.L_overlay_start_1:
0x0: {  	(tag) =	ssettag $0x1  }
0x1: {  	s2 =	rddreg [dreg:$0x0]  }
0x2: {  	s1 =	rddreg [dreg:$0x1]  }
0x3: {  	s8 =	rddreg [dreg:$0x2]  }
0x4: {  	s0 =	rddreg [dreg:$0x3]  }
0x5: {  	s5 =	rddreg [dreg:$0x4]  }
0x6: {  	s17 =	rddreg [dreg:$0x5]  }
0x7: {  	s18 =	rddreg [dreg:$0x6]  }
0x8: {  	s3 =	rddreg [dreg:$0x7]  }
0x9: {  	s4 =	rddreg [dreg:$0x8]  }
0xa: {  	[dreg:$0xa] =	wrdreg s0  }
0xb: {  	[dreg:$0xc] =	wrdreg s17  }
0xc: {  	s24 =	simm.s32 $0x0;
	[dreg:$0xd] =	wrdreg s18  }
0xd: {  	[smem:$0x7FF] =	sst s24;
	s19 =	sadd.s32 $0xA00, s5  }
0xe: {  	s14 =	simm.s32 $0x180;
	_ =	strace $0x80000047;
	[dreg:$0xb] =	wrdreg s19  }
0xf: {  	s15 =	simm.s32 $0x980;
	[dreg:$0x17] =	wrdreg s14  }
0x10: {  	s16 =	simm.s32 $0x200;
	[dreg:$0x18] =	wrdreg s15  }
0x11: {  	s17 =	simm.s32 $0xA00;
	[dreg:$0x19] =	wrdreg s16  }
0x12: {  	s7 =	srdreg.scid;
	[dreg:$0x1a] =	wrdreg s17;
	s19 =	simm.s32 $0x280  }
0x13: {  	s0 =	sand.u32 $0x1, s7;
	s15 =	simm.s32 $0xB80;
	[dreg:$0x1b] =	wrdreg s19  }
0x14: {  	s17 =	sshll.u32 s0, $0x4;
	[smem:$0x7E5] =	sst s15  }
0x15: {  	s16 =	simm.s32 $0x480;
	[smem:$0x7E6] =	sst s17  }
0x16: {  	s14 =	sadd.s32 $0x1400, s5;
	s5 =	simm.s32 $0x600;
	[smem:$0x7E7] =	sst s16  }
0x17: {  	s9 =	stileid.u32;
	s10 =	sshll.u32 s0, $0xB;
	[smem:$0x7EE] =	sst s5  }
0x18: {  	s26 =	smul.u32 $0xF400, s9;
	s10 =	sor.u32 $0x80, s10;
	[smem:$0x7FA] =	sst s14  }
0x19: {  	s18 =	ssub.s32 $0x2, s0;
	s15 =	simm.s32 $0x680;
	[dreg:$0xe] =	wrdreg s10  }
0x1a: {  	s6 =	sadd.s32 $0x3D00, s26;
	s16 =	simm.s32 $0xE80;
	[smem:$0x7F0] =	sst s15  }
0x1b: {  	s21 =	sadd.s32 $0x7A00, s26;
	s17 =	simm.s32 $0x700;
	[smem:$0x7F2] =	sst s16  }
0x1c: {  	s7 =	sadd.s32 $0xB700, s26;
	s11 =	sadd.s32 s26, s4;
	[smem:$0x7F4] =	sst s17  }
0x1d: {  	s19 =	smul.u32 $0x1E8500, s0;
	s20 =	sshrl.u32 s11, $0x3;
	[smem:$0x7F9] =	sst s7  }
0x1e: {  	s12 =	sadd.s32 s6, s4;
	s11 =	simm.s32 $0x880;
	[dreg:$0xf] =	wrdreg s20  }
0x1f: {  	s13 =	sadd.s32 s21, s4;
	s23 =	sshrl.u32 s12, $0x3;
	[dreg:$0x14] =	wrdreg s11  }
0x20: {  	s22 =	sadd.s32 s7, s4;
	s25 =	sshrl.u32 s13, $0x3;
	[dreg:$0x10] =	wrdreg s23  }
0x21: {  	s12 =	sadd.s32 $0xF4000, s4;
	s4 =	sshrl.u32 s22, $0x3;
	[dreg:$0x11] =	wrdreg s25  }
0x22: {  	s0 =	smul.u32 $0x500, s0;
	s13 =	simm.s32 $0x900;
	[dreg:$0x12] =	wrdreg s4  }
0x23: {  	s22 =	simm.s32 $0xA80;
	[dreg:$0x16] =	wrdreg s13  }
0x24: {  	p0 =	sne.s32 s9, $0xF;
	s0 =	sadd.s32 s14, s0;
	[dreg:$0x1c] =	wrdreg s22  }
0x25: {  	s10 =	sshrl.u32 @!p0 s12, $0x3;
	[smem:$0x7F1] =	sst s0  }
0x26: {  	s12 =	simm.s32 $0x100;
	[dreg:$0x13] =	wrdreg s10  }
0x27: {  	s25 =	sshll.u32 s9, $0xA;
	[dreg:$0x15] =	wrdreg s12  }
0x28: {  	s11 =	smov.u32 s6;
	s23 =	simm.s32 $0x300;
	[smem:$0x7E2] =	sst s25  }
0x29: {  	s6 =	sshll.u32 s9, $0x7;
	s4 =	simm.s32 $0xB00;
	[dreg:$0x1d] =	wrdreg s23  }
0x2a: {  	s2 =	sadd.s32 s2, s6;
	[dreg:$0x1e] =	wrdreg s4  }
0x2b: {  	s13 =	simm.s32 $0x380;
	[smem:$0x7E3] =	sst s2  }
0x2c: {  	s1 =	sadd.s32 s1, s6;
	[dreg:$0x1f] =	wrdreg s13  }
0x2d: {  	s22 =	simm.s32 $0xD00;
	[smem:$0x7E4] =	sst s1  }
0x2e: {  	s20 =	sshrl.u32 s18, $0x1;
	s6 =	simm.s32 $0xE00;
	[smem:$0x7EB] =	sst s22  }
0x2f: {  	s10 =	ssub.s32 s18, s20;
	s18 =	simm.s32 $0xC80;
	[smem:$0x7EF] =	sst s6  }
0x30: {  	s20 =	simm.s32 $0x500;
	[smem:$0x7E8] =	sst s18  }
0x31: {  	s2 =	sadd.s32 s8, s19;
	[smem:$0x7E9] =	sst s20  }
0x32: {  	s25 =	simm.s32 $0x580;
	[smem:$0x7EA] =	sst s2  }
0x33: {  	s22 =	simm.s32 $0x780;
	[smem:$0x7EC] =	sst s25  }
0x34: {  	s28 =	simm.s32 $0x80;
	s12 =	sadd.s32 s7, s3;
	[smem:$0x7F6] =	sst s22  }
0x35: {  	s30 =	simm.s32 $0x3;
	s4 =	sadd.s32 s11, s3;
	[smem:$0x7F8] =	sst s12  }
0x36: {  	s29 =	simm.s32 $0xC00;
	s13 =	sadd.s32 s21, s3;
	[smem:$0x7FB] =	sst s4  }
0x37: {  	s31 =	simm.s32 $0x1;
	s19 =	sadd.s32 $0xF4000, s3;
	[smem:$0x7FC] =	sst s13  }
0x38: {  	s15 =	simm.s32 $0x10;
	s2 =	simm.s32 $0xD80;
	[smem:$0x7FD] =	sst s19  }
0x39: {  	s17 =	simm.s32 $0x800;
	s18 =	smax.u32 s10, $0x1;
	[smem:$0x7ED] =	sst s2  }
0x3a: {  	s23 =	sadd.s32 s26, s3;
	s20 =	simm.s32 $0xF00;
	[smem:$0x7F3] =	sst s18  }
0x3b: {  	s6 =	simm.s32 $0x1;
	s25 =	simm.s32 $0xF80;
	[smem:$0x7F5] =	sst s20  }
0x3c: {  	[smem:$0x7F7] =	sst s25;
	s25 =	simm.s32 $0x2;
	s2 =	simm.s32 $0x0  }
.LBB2_1:
0x3d: {  	s0 =	sld [smem:$0x7E3];
	_ =	sdelay $0x1  }
0x3e: {  	[smem:$0x7DF] =	sst s2;
	s20 =	simm.s32 $0x4  }
0x3f: {  	[tilespmem:s24], [sflag:$0x4] =	stream.linear.gather [hbm4b:s0+s24], $0x400, $0x38;
	[tilespmem:$0x1F850] =	vst v63  }
0x40: {  	_ =	swait.ge [sflag:s20], $0x400  }
0x41: {  	s5 =	sld [smem:$0x7E4]  }
0x42: {  	[sflag:s20] =	ssyncset.done $0x0  }
0x43: {  	s1 =	simm.s32 $0x400;
	[sflag:s20] =	ssyncadd.s32 $0xFFFFFC00  }
0x44: {  	[tilespmem:s1], [sflag:$0x4] =	stream.linear.gather [hbm4b:s5+s24], $0x400, $0x38;
	[tilespmem:$0x1F850] =	vst v63  }
0x45: {  	_ =	swait.ge [sflag:s20], $0x400  }
0x46: {  	s1 =	sld [smem:$0x7EA];
	_ =	sdelay $0x1  }
0x47: {  	s14 =	sshrl.u32 s23, $0x3;
	s5 =	sshll.u32 s9, $0x6;
	[sflag:s20] =	ssyncset.done $0x0  }
0x48: {  	s18 =	sor.u32 $0x1C01, s5;
	[sflag:s20] =	ssyncadd.s32 $0xFFFFFC00;
	s10 =	sadd.s32 s26, s1  }
0x49: {  	[spmem:s14@s15], [sflag:s18] =	dma.strided [hbm:s10@s28], $0x7A0, s6, $0x10   }
0x4a: {  	s22 =	sshrl.u32 s4, $0x3;
	s16 =	sadd.s32 s11, s1;
	s10 =	sadd.s32 s21, s1  }
0x4b: {  	[spmem:s22@s15], [sflag:s18] =	dma.strided [hbm:s16@s28], $0x7A0, s6, $0x10   }
0x4c: {  	s14 =	sshrl.u32 s13, $0x3;
	s16 =	sadd.s32 s7, s1;
	s22 =	sshrl.u32 s12, $0x3  }
0x4d: {  	[spmem:s14@s15], [sflag:s18] =	dma.strided [hbm:s10@s28], $0x7A0, s6, $0x10   }
0x4e: {  	[spmem:s22@s15], [sflag:s18] =	dma.strided [hbm:s16@s28], $0x7A0, s6, $0x10   }
0x4f: {  	s1 =	sld [smem:$0x7F1]  }
0x50: {  	s2 =	simm.s32 @!p0 $0x80  }
0x51: {  	s0 =	sshrl.u32 @!p0 s19, $0x3;
	s16 =	simm.s32 @!p0 $0x1;
	s22 =	simm.s32 @!p0 $0x10  }
0x52: {  	[spmem:s0@s22], [sflag:s18] =	dma.strided @!p0 [hbm:s1@s2], $0x50, s16, $0x10   }
0x53: {  	_ =	swait.ge [sflag:s6], $0x7A0  }
0x54: {  	[sflag:s6] =	ssyncset.done $0x0  }
0x55: {  	[sflag:s6] =	ssyncadd.s32 $0xFFFFF860  }
0x56: {  	_ =	swait.ge [sflag:s6], $0x7A0  }
0x57: {  	[sflag:s6] =	ssyncset.done $0x0  }
0x58: {  	[sflag:s6] =	ssyncadd.s32 $0xFFFFF860  }
0x59: {  	_ =	swait.ge [sflag:s6], $0x7A0  }
0x5a: {  	[sflag:s6] =	ssyncset.done $0x0  }
0x5b: {  	[sflag:s6] =	ssyncadd.s32 $0xFFFFF860  }
0x5c: {  	_ =	swait.ge [sflag:s6], $0x7A0  }
0x5d: {  	[sflag:s6] =	ssyncset.done $0x0  }
0x5e: {  	[sflag:s6] =	ssyncadd.s32 $0xFFFFF860  }
0x5f: {  	_ =	swait.ge @!p0 [sflag:s16], $0x50  }
0x60: {  	s6 =	sld [smem:$0x7E6];
	_ =	sdelay $0x2  }
0x61: {  	s1 =	sshrl.u32 s6, $0x3  }
0x62: {  	[sflag:s16] =	ssyncset.done @!p0 $0x0;
	s10 =	smul.u32 $0x7A1400, s1  }
0x63: {  	s2 =	sand.u32 $0x380, s24;
	[sflag:s16] =	ssyncadd.s32 @!p0 $0xFFFFFFB0  }
0x64: {  	[bflag:$0x0] =	sbarrier.arrive $0xFFFF;
	s10 =	sor.u32 s2, s10  }
0x65: {  	s0 =	rddreg [dreg:$0xa];
	s10 =	sshrl.u32 s10, $0x3  }
0x66: {  	s10 =	sadd.s32 s0, s10  }
0x67: {  	s14 =	rddreg [dreg:$0xf];
	s0 =	sor.u32 $0x1C02, s5;
	s12 =	sadd.s32 s26, s10  }
0x68: {  	[spmem:s14@s15], [sflag:s0] =	dma.strided [hbm:s12@s28], $0x7A0, s31, $0x10   }
0x69: {  	s12 =	sadd.s32 s11, s10;
	s5 =	rddreg [dreg:$0x10]  }
0x6a: {  	[spmem:s5@s15], [sflag:s0] =	dma.strided [hbm:s12@s28], $0x7A0, s31, $0x10   }
0x6b: {  	s14 =	sadd.s32 s21, s10;
	s5 =	rddreg [dreg:$0x11]  }
0x6c: {  	[spmem:s5@s15], [sflag:s0] =	dma.strided [hbm:s14@s28], $0x7A0, s31, $0x10   }
0x6d: {  	s10 =	sadd.s32 s7, s10;
	s12 =	smul.u32 @!p0 $0x1400, s1;
	s5 =	rddreg [dreg:$0x12]  }
0x6e: {  	[spmem:s5@s15], [sflag:s0] =	dma.strided [hbm:s10@s28], $0x7A0, s31, $0x10   }
0x6f: {  	s10 =	sor.u32 @!p0 s2, s12;
	[smem:$0x7E0] =	sst s0  }
0x70: {  	s5 =	rddreg [dreg:$0xb];
	s10 =	sshrl.u32 @!p0 s10, $0x3  }
0x71: {  	s12 =	rddreg [dreg:$0x13];
	s5 =	sadd.s32 @!p0 s5, s10;
	s10 =	simm.s32 @!p0 $0x80  }
0x72: {  	[spmem:s12@s22], [sflag:s0] =	dma.strided @!p0 [hbm:s5@s10], $0x50, s16, $0x10   }
0x73: {  	s5 =	sld [smem:$0x7E5]  }
0x74: {  	s10 =	rddreg [dreg:$0x1e]  }
0x75: {  	s12 =	rddreg [dreg:$0x15]  }
0x76: {  	s14 =	rddreg [dreg:$0x17]  }
0x77: {  	s15 =	rddreg [dreg:$0x16]  }
0x78: {  	[tilespmem:s17], [sflag:$0x3] =	stream.indirect.gather [spmem:s3], $0x1, s24, s28, $0xb8;
	[tilespmem:$0x1F850] =	vst v63  }
0x79: {  	s16 =	rddreg [dreg:$0x14]  }
0x7a: {  	s22 =	rddreg [dreg:$0x1c]  }
0x7b: {  	[tilespmem:s16], [sflag:$0x3] =	stream.indirect.gather [spmem:s3], $0x1, s28, s28, $0xb8;
	[tilespmem:$0x1F850] =	vst v63  }
0x7c: {  	s0 =	rddreg [dreg:$0x1a]  }
0x7d: {  	[tilespmem:s15], [sflag:$0x3] =	stream.indirect.gather [spmem:s3], $0x1, s12, s28, $0xb8;
	[tilespmem:$0x1F850] =	vst v63  }
0x7e: {  	s16 =	rddreg [dreg:$0x18]  }
0x7f: {  	[tilespmem:s16], [sflag:$0x3] =	stream.indirect.gather [spmem:s3], $0x1, s14, s28, $0xb8;
	[tilespmem:$0x1F850] =	vst v63  }
0x80: {  	s15 =	rddreg [dreg:$0x19]  }
0x81: {  	[tilespmem:s0], [sflag:$0x3] =	stream.indirect.gather [spmem:s3], $0x1, s15, s28, $0xb8;
	[tilespmem:$0x1F850] =	vst v63  }
0x82: {  	s16 =	rddreg [dreg:$0x1b]  }
0x83: {  	[tilespmem:s22], [sflag:$0x3] =	stream.indirect.gather [spmem:s3], $0x1, s16, s28, $0xb8;
	[tilespmem:$0x1F850] =	vst v63  }
0x84: {  	s17 =	rddreg [dreg:$0x1d]  }
0x85: {  	[tilespmem:s10], [sflag:$0x3] =	stream.indirect.gather [spmem:s3], $0x1, s17, s28, $0xb8;
	[tilespmem:$0x1F850] =	vst v63  }
0x86: {  	s22 =	rddreg [dreg:$0x1f]  }
0x87: {  	[tilespmem:s5], [sflag:$0x3] =	stream.indirect.gather [spmem:s3], $0x1, s22, s28, $0xb8;
	[tilespmem:$0x1F850] =	vst v63  }
0x88: {  	s12 =	sld [smem:$0x7F8];
	_ =	swait.ge [sflag:s30], $0x80  }
0x89: {  	[sflag:s30] =	ssyncset.done $0x0  }
0x8a: {  	[sflag:s30] =	ssyncadd.s32 $0xFFFFFF80  }
0x8b: {  	_ =	swait.ge [sflag:s30], $0x80  }
0x8c: {  	[sflag:s30] =	ssyncset.done $0x0  }
0x8d: {  	[sflag:s30] =	ssyncadd.s32 $0xFFFFFF80  }
0x8e: {  	_ =	swait.ge [sflag:s30], $0x80  }
0x8f: {  	[sflag:s30] =	ssyncset.done $0x0  }
0x90: {  	[sflag:s30] =	ssyncadd.s32 $0xFFFFFF80  }
0x91: {  	_ =	swait.ge [sflag:s30], $0x80  }
0x92: {  	[sflag:s30] =	ssyncset.done $0x0  }
0x93: {  	[sflag:s30] =	ssyncadd.s32 $0xFFFFFF80  }
0x94: {  	_ =	swait.ge [sflag:s30], $0x80  }
0x95: {  	[sflag:s30] =	ssyncset.done $0x0  }
0x96: {  	[sflag:s30] =	ssyncadd.s32 $0xFFFFFF80  }
0x97: {  	_ =	swait.ge [sflag:s30], $0x80  }
0x98: {  	[sflag:s30] =	ssyncset.done $0x0  }
0x99: {  	[sflag:s30] =	ssyncadd.s32 $0xFFFFFF80  }
0x9a: {  	_ =	swait.ge [sflag:s30], $0x80  }
0x9b: {  	[sflag:s30] =	ssyncset.done $0x0  }
0x9c: {  	[sflag:s30] =	ssyncadd.s32 $0xFFFFFF80  }
0x9d: {  	s14 =	sshll.u32 s1, $0x11;
	_ =	swait.ge [sflag:s30], $0x80  }
0x9e: {  	s0 =	sor.u32 s2, s14;
	s16 =	sld [smem:$0x7E2]  }
0x9f: {  	s22 =	sshrl.u32 s0, $0x3;
	s15 =	rddreg [dreg:$0xc]  }
0xa0: {  	s17 =	simm.s32 $0x800;
	[sflag:s30] =	ssyncset.done $0x0;
	s0 =	sadd.s32 s15, s22  }
0xa1: {  	[sflag:s30] =	ssyncadd.s32 $0xFFFFFF80;
	s0 =	sadd.s32 s16, s0;
	s16 =	simm.s32 $0x400  }
0xa2: {  	[hbm4b:s0+s28] =	stream.strided.scatter [tilespmem:s17], [sflag:$0x4], $0x400, s16, s28, $0x38;
	[tilespmem:$0x1F850] =	vst v63  }
0xa3: {  	_ =	swait.ge [sflag:s20], $0x400  }
0xa4: {  	[sflag:s20] =	ssyncset.done $0x0  }
0xa5: {  	[sflag:s20] =	ssyncadd.s32 $0xFFFFFC00  }
0xa6: {  	_ =	swait.ge [sflag:s25], $0x7A0  }
0xa7: {  	[sflag:s25] =	ssyncset.done $0x0  }
0xa8: {  	[sflag:s25] =	ssyncadd.s32 $0xFFFFF860  }
0xa9: {  	_ =	swait.ge [sflag:s25], $0x7A0  }
0xaa: {  	[sflag:s25] =	ssyncset.done $0x0  }
0xab: {  	[sflag:s25] =	ssyncadd.s32 $0xFFFFF860  }
0xac: {  	_ =	swait.ge [sflag:s25], $0x7A0  }
0xad: {  	[sflag:s25] =	ssyncset.done $0x0  }
0xae: {  	[sflag:s25] =	ssyncadd.s32 $0xFFFFF860  }
0xaf: {  	_ =	swait.ge [sflag:s25], $0x7A0  }
0xb0: {  	[sflag:s25] =	ssyncset.done $0x0  }
0xb1: {  	s0 =	simm.s32 @!p0 $0x2;
	[sflag:s25] =	ssyncadd.s32 $0xFFFFF860  }
0xb2: {  	_ =	swait.ge @!p0 [sflag:s0], $0x50  }
0xb3: {  	[sflag:s0] =	ssyncset.done @!p0 $0x0  }
0xb4: {  	p1 =	por $0x0, $0x0;
	[sflag:s0] =	ssyncadd.s32 @!p0 $0xFFFFFFB0  }
0xb5: {  	s2 =	sadd.s32 @!p1 $0x1, s6;
	[bflag:$0x0] =	sbarrier.arrive $0xFFFF  }
0xb6: {  	s2 =	sshrl.u32 @!p1 s2, $0x3;
	s0 =	rddreg [dreg:$0xe]  }
0xb7: {  	s5 =	smul.u32 @!p1 $0x7A1400, s2;
	s0 =	sadd.s32 @!p1 $0x0, s0  }
0xb8: {  	p2 =	sne.s32 @!p1 s9, $0xF;
	s0 =	sand.u32 @!p1 $0x380, s0  }
0xb9: {  	p2 =	por p2, p1;
	s5 =	sor.u32 @!p1 s0, s5  }
0xba: {  	s1 =	simm.s32 @!p1 $0x10;
	s2 =	smul.u32 @!p2 $0x1400, s2;
	s5 =	sshrl.u32 @!p1 s5, $0x3  }
0xbb: {  	s14 =	simm.s32 @!p1 $0x80;
	s15 =	sshrl.u32 @!p1 s23, $0x3;
	s5 =	sadd.s32 @!p1 s8, s5  }
0xbc: {  	s17 =	simm.s32 @!p1 $0x1;
	s0 =	sor.u32 @!p2 s0, s2;
	s10 =	sadd.s32 @!p1 s26, s5  }
0xbd: {  	[spmem:s15@s1], [sflag:s18] =	dma.strided @!p1 [hbm:s10@s14], $0x7A0, s17, $0x10   }
0xbe: {  	s2 =	sshrl.u32 @!p1 s12, $0x3;
	s10 =	sshrl.u32 @!p1 s4, $0x3;
	s15 =	sadd.s32 @!p1 s11, s5  }
0xbf: {  	[spmem:s10@s1], [sflag:s18] =	dma.strided @!p1 [hbm:s15@s14], $0x7A0, s17, $0x10   }
0xc0: {  	s10 =	sadd.s32 @!p1 s21, s5;
	s15 =	sshrl.u32 @!p1 s13, $0x3;
	s5 =	sadd.s32 @!p1 s7, s5  }
0xc1: {  	[spmem:s15@s1], [sflag:s18] =	dma.strided @!p1 [hbm:s10@s14], $0x7A0, s17, $0x10   }
0xc2: {  	[spmem:s2@s1], [sflag:s18] =	dma.strided @!p1 [hbm:s5@s14], $0x7A0, s17, $0x10   }
0xc3: {  	s1 =	sld [smem:$0x7FA]  }
0xc4: {  	s0 =	sshrl.u32 @!p2 s0, $0x3  }
0xc5: {  	s10 =	simm.s32 @!p2 $0x10;
	s2 =	simm.s32 @!p2 $0x1;
	s5 =	simm.s32 @!p2 $0x80  }
0xc6: {  	s14 =	sshrl.u32 @!p2 s19, $0x3;
	[smem:$0x7E1] =	sst s18;
	s0 =	sadd.s32 @!p2 s1, s0  }
0xc7: {  	[spmem:s14@s10], [sflag:s18] =	dma.strided @!p2 [hbm:s0@s5], $0x50, s2, $0x10   }
0xc8: {  	s0 =	sld [smem:$0x7E7]  }
0xc9: {  	s2 =	sld [smem:$0x7E8]  }
0xca: {  	s25 =	rddreg [dreg:$0x8]  }
0xcb: {  	s15 =	sld [smem:$0x7E9]  }
0xcc: {  	s17 =	sld [smem:$0x7EB]  }
0xcd: {  	s14 =	sld [smem:$0x7F7]  }
0xce: {  	[tilespmem:s29], [sflag:$0x3] =	stream.indirect.gather [spmem:s25], $0x1, s16, s28, $0xb8;
	[tilespmem:$0x1F850] =	vst v63  }
0xcf: {  	s10 =	sld [smem:$0x7F5]  }
0xd0: {  	[tilespmem:s2], [sflag:$0x3] =	stream.indirect.gather [spmem:s25], $0x1, s0, s28, $0xb8;
	[tilespmem:$0x1F850] =	vst v63  }
0xd1: {  	s0 =	simm.s32 $0x80;
	s2 =	smov.u32 s6;
	s25 =	simm.s32 $0x2  }
.LBB2_2:
0xd2: {  	s18 =	sld [smem:$0x7F2]  }
0xd3: {  	s19 =	sld [smem:$0x7EF]  }
0xd4: {  	s20 =	sld [smem:$0x7ED]  }
0xd5: {  	s29 =	sld [smem:$0x7EC]  }
0xd6: {  	s13 =	rddreg [dreg:$0x8]  }
0xd7: {  	[tilespmem:s17], [sflag:$0x3] =	stream.indirect.gather [spmem:s13], $0x1, s15, s28, $0xb8;
	[tilespmem:$0x1F850] =	vst v63  }
0xd8: {  	s6 =	sld [smem:$0x7EE]  }
0xd9: {  	[tilespmem:s20], [sflag:$0x3] =	stream.indirect.gather [spmem:s13], $0x1, s29, s28, $0xb8;
	[tilespmem:$0x1F850] =	vst v63  }
0xda: {  	s7 =	sld [smem:$0x7F0]  }
0xdb: {  	[tilespmem:s19], [sflag:$0x3] =	stream.indirect.gather [spmem:s13], $0x1, s6, s28, $0xb8;
	[tilespmem:$0x1F850] =	vst v63  }
0xdc: {  	s16 =	sld [smem:$0x7F4]  }
0xdd: {  	[tilespmem:s18], [sflag:$0x3] =	stream.indirect.gather [spmem:s13], $0x1, s7, s28, $0xb8;
	[tilespmem:$0x1F850] =	vst v63  }
0xde: {  	s18 =	sld [smem:$0x7F6]  }
0xdf: {  	[tilespmem:s10], [sflag:$0x3] =	stream.indirect.gather [spmem:s13], $0x1, s16, s28, $0xb8;
	[tilespmem:$0x1F850] =	vst v63  }
0xe0: {  	_ = 	snop  }
0xe1: {  	[tilespmem:s14], [sflag:$0x3] =	stream.indirect.gather [spmem:s13], $0x1, s18, s28, $0xb8;
	[tilespmem:$0x1F850] =	vst v63  }
0xe2: {  	_ =	swait.ge [sflag:s30], $0x80  }
0xe3: {  	[sflag:s30] =	ssyncset.done $0x0  }
0xe4: {  	[sflag:s30] =	ssyncadd.s32 $0xFFFFFF80  }
0xe5: {  	_ =	swait.ge [sflag:s30], $0x80  }
0xe6: {  	[sflag:s30] =	ssyncset.done $0x0  }
0xe7: {  	[sflag:s30] =	ssyncadd.s32 $0xFFFFFF80  }
0xe8: {  	_ =	swait.ge [sflag:s30], $0x80  }
0xe9: {  	[sflag:s30] =	ssyncset.done $0x0  }
0xea: {  	[sflag:s30] =	ssyncadd.s32 $0xFFFFFF80  }
0xeb: {  	_ =	swait.ge [sflag:s30], $0x80  }
0xec: {  	[sflag:s30] =	ssyncset.done $0x0  }
0xed: {  	[sflag:s30] =	ssyncadd.s32 $0xFFFFFF80  }
0xee: {  	_ =	swait.ge [sflag:s30], $0x80  }
0xef: {  	[sflag:s30] =	ssyncset.done $0x0  }
0xf0: {  	[sflag:s30] =	ssyncadd.s32 $0xFFFFFF80  }
0xf1: {  	_ =	swait.ge [sflag:s30], $0x80  }
0xf2: {  	[sflag:s30] =	ssyncset.done $0x0  }
0xf3: {  	[sflag:s30] =	ssyncadd.s32 $0xFFFFFF80  }
0xf4: {  	_ =	swait.ge [sflag:s30], $0x80  }
0xf5: {  	[sflag:s30] =	ssyncset.done $0x0  }
0xf6: {  	[sflag:s30] =	ssyncadd.s32 $0xFFFFFF80  }
0xf7: {  	_ =	swait.ge [sflag:s30], $0x80  }
0xf8: {  	s1 =	sld [smem:$0x7E2]  }
0xf9: {  	s19 =	rddreg [dreg:$0xd]  }
0xfa: {  	s4 =	simm.s32 $0x400;
	[sflag:s30] =	ssyncset.done $0x0;
	s10 =	sadd.s32 s19, s22  }
0xfb: {  	s6 =	simm.s32 $0xC00;
	[sflag:s30] =	ssyncadd.s32 $0xFFFFFF80;
	s10 =	sadd.s32 s1, s10  }
0xfc: {  	[hbm4b:s10+s28] =	stream.strided.scatter [tilespmem:s6], [sflag:$0x4], $0x400, s4, s28, $0x38;
	[tilespmem:$0x1F850] =	vst v63  }
0xfd: {  	s4 =	simm.s32 $0x4  }
0xfe: {  	_ =	swait.ge [sflag:s4], $0x400  }
0xff: {  	[sflag:s4] =	ssyncset.done $0x0  }
0x100: {  	[sflag:s4] =	ssyncadd.s32 $0xFFFFFC00  }
0x101: {  	_ =	swait.ge [sflag:s31], $0x7A0  }
0x102: {  	[sflag:s31] =	ssyncset.done $0x0  }
0x103: {  	[sflag:s31] =	ssyncadd.s32 $0xFFFFF860  }
0x104: {  	_ =	swait.ge [sflag:s31], $0x7A0  }
0x105: {  	[sflag:s31] =	ssyncset.done $0x0  }
0x106: {  	[sflag:s31] =	ssyncadd.s32 $0xFFFFF860  }
0x107: {  	_ =	swait.ge [sflag:s31], $0x7A0  }
0x108: {  	[sflag:s31] =	ssyncset.done $0x0  }
0x109: {  	[sflag:s31] =	ssyncadd.s32 $0xFFFFF860  }
0x10a: {  	_ =	swait.ge [sflag:s31], $0x7A0  }
0x10b: {  	[sflag:s31] =	ssyncset.done $0x0  }
0x10c: {  	s6 =	simm.s32 @!p0 $0x1;
	[sflag:s31] =	ssyncadd.s32 $0xFFFFF860  }
0x10d: {  	s2 =	sadd.s32 $0x1, s2;
	_ =	swait.ge @!p0 [sflag:s6], $0x50  }
0x10e: {  	s10 =	sshrl.u32 s2, $0x3;
	[sflag:s6] =	ssyncset.done @!p0 $0x0  }
0x10f: {  	s5 =	smov.u32 s0;
	s20 =	smul.u32 $0x7A1400, s10;
	[sflag:s6] =	ssyncadd.s32 @!p0 $0xFFFFFFB0  }
0x110: {  	s17 =	sand.u32 $0x380, s5;
	[bflag:$0x0] =	sbarrier.arrive $0xFFFF  }
0x111: {  	s14 =	sor.u32 s17, s20;
	s7 =	rddreg [dreg:$0xa]  }
0x112: {  	s14 =	sshrl.u32 s14, $0x3;
	s16 =	sld [smem:$0x7E0]  }
0x113: {  	s14 =	sadd.s32 s7, s14  }
0x114: {  	s13 =	rddreg [dreg:$0xf];
	s7 =	simm.s32 $0x10;
	s15 =	sadd.s32 s26, s14  }
0x115: {  	[spmem:s13@s7], [sflag:s16] =	dma.strided [hbm:s15@s28], $0x7A0, s31, $0x10   }
0x116: {  	s18 =	sadd.s32 s11, s14;
	s15 =	rddreg [dreg:$0x10]  }
0x117: {  	[spmem:s15@s7], [sflag:s16] =	dma.strided [hbm:s18@s28], $0x7A0, s31, $0x10   }
0x118: {  	s19 =	sadd.s32 s21, s14;
	s15 =	rddreg [dreg:$0x11]  }
0x119: {  	[spmem:s15@s7], [sflag:s16] =	dma.strided [hbm:s19@s28], $0x7A0, s31, $0x10   }
0x11a: {  	s13 =	sld [smem:$0x7F9]  }
0x11b: {  	s22 =	sshll.u32 s10, $0x11;
	s10 =	smul.u32 @!p0 $0x1400, s10;
	_ =	sdelay $0x1  }
0x11c: {  	s10 =	sor.u32 @!p0 s17, s10;
	s15 =	rddreg [dreg:$0x12];
	s14 =	sadd.s32 s13, s14  }
0x11d: {  	[spmem:s15@s7], [sflag:s16] =	dma.strided [hbm:s14@s28], $0x7A0, s31, $0x10   }
0x11e: {  	s10 =	sshrl.u32 @!p0 s10, $0x3;
	s7 =	simm.s32 @!p0 $0x10;
	s14 =	rddreg [dreg:$0xb]  }
0x11f: {  	s15 =	rddreg [dreg:$0x13];
	s10 =	sadd.s32 @!p0 s14, s10;
	s14 =	simm.s32 @!p0 $0x80  }
0x120: {  	[spmem:s15@s7], [sflag:s16] =	dma.strided @!p0 [hbm:s10@s14], $0x50, s6, $0x10   }
0x121: {  	s10 =	sld [smem:$0x7E5]  }
0x122: {  	s14 =	rddreg [dreg:$0x1e]  }
0x123: {  	s15 =	rddreg [dreg:$0x15]  }
0x124: {  	s22 =	sor.u32 s17, s22;
	s17 =	rddreg [dreg:$0x17]  }
0x125: {  	s6 =	simm.s32 $0x800;
	s20 =	rddreg [dreg:$0x16]  }
0x126: {  	[tilespmem:s6], [sflag:$0x3] =	stream.indirect.gather [spmem:s3], $0x1, s24, s28, $0xb8;
	[tilespmem:$0x1F850] =	vst v63  }
0x127: {  	s24 =	rddreg [dreg:$0x14]  }
0x128: {  	s7 =	rddreg [dreg:$0x1c]  }
0x129: {  	[tilespmem:s24], [sflag:$0x3] =	stream.indirect.gather [spmem:s3], $0x1, s28, s28, $0xb8;
	[tilespmem:$0x1F850] =	vst v63  }
0x12a: {  	s29 =	rddreg [dreg:$0x1a]  }
0x12b: {  	[tilespmem:s20], [sflag:$0x3] =	stream.indirect.gather [spmem:s3], $0x1, s15, s28, $0xb8;
	[tilespmem:$0x1F850] =	vst v63  }
0x12c: {  	s16 =	rddreg [dreg:$0x18]  }
0x12d: {  	[tilespmem:s16], [sflag:$0x3] =	stream.indirect.gather [spmem:s3], $0x1, s17, s28, $0xb8;
	[tilespmem:$0x1F850] =	vst v63  }
0x12e: {  	s18 =	rddreg [dreg:$0x19]  }
0x12f: {  	[tilespmem:s29], [sflag:$0x3] =	stream.indirect.gather [spmem:s3], $0x1, s18, s28, $0xb8;
	[tilespmem:$0x1F850] =	vst v63  }
0x130: {  	s19 =	rddreg [dreg:$0x1b]  }
0x131: {  	[tilespmem:s7], [sflag:$0x3] =	stream.indirect.gather [spmem:s3], $0x1, s19, s28, $0xb8;
	[tilespmem:$0x1F850] =	vst v63  }
0x132: {  	s24 =	rddreg [dreg:$0x1d]  }
0x133: {  	[tilespmem:s14], [sflag:$0x3] =	stream.indirect.gather [spmem:s3], $0x1, s24, s28, $0xb8;
	[tilespmem:$0x1F850] =	vst v63  }
0x134: {  	s7 =	rddreg [dreg:$0x1f]  }
0x135: {  	[tilespmem:s10], [sflag:$0x3] =	stream.indirect.gather [spmem:s3], $0x1, s7, s28, $0xb8;
	[tilespmem:$0x1F850] =	vst v63  }
0x136: {  	_ =	swait.ge [sflag:s30], $0x80  }
0x137: {  	[sflag:s30] =	ssyncset.done $0x0  }
0x138: {  	[sflag:s30] =	ssyncadd.s32 $0xFFFFFF80  }
0x139: {  	_ =	swait.ge [sflag:s30], $0x80  }
0x13a: {  	[sflag:s30] =	ssyncset.done $0x0  }
0x13b: {  	[sflag:s30] =	ssyncadd.s32 $0xFFFFFF80  }
0x13c: {  	_ =	swait.ge [sflag:s30], $0x80  }
0x13d: {  	[sflag:s30] =	ssyncset.done $0x0  }
0x13e: {  	[sflag:s30] =	ssyncadd.s32 $0xFFFFFF80  }
0x13f: {  	_ =	swait.ge [sflag:s30], $0x80  }
0x140: {  	[sflag:s30] =	ssyncset.done $0x0  }
0x141: {  	[sflag:s30] =	ssyncadd.s32 $0xFFFFFF80  }
0x142: {  	_ =	swait.ge [sflag:s30], $0x80  }
0x143: {  	[sflag:s30] =	ssyncset.done $0x0  }
0x144: {  	[sflag:s30] =	ssyncadd.s32 $0xFFFFFF80  }
0x145: {  	_ =	swait.ge [sflag:s30], $0x80  }
0x146: {  	[sflag:s30] =	ssyncset.done $0x0  }
0x147: {  	[sflag:s30] =	ssyncadd.s32 $0xFFFFFF80  }
0x148: {  	_ =	swait.ge [sflag:s30], $0x80  }
0x149: {  	[sflag:s30] =	ssyncset.done $0x0  }
0x14a: {  	[sflag:s30] =	ssyncadd.s32 $0xFFFFFF80  }
0x14b: {  	_ =	swait.ge [sflag:s30], $0x80  }
0x14c: {  	s22 =	sshrl.u32 s22, $0x3;
	s15 =	rddreg [dreg:$0xc]  }
0x14d: {  	[sflag:s30] =	ssyncset.done $0x0;
	s10 =	sadd.s32 s15, s22  }
0x14e: {  	s16 =	simm.s32 $0x400;
	[sflag:s30] =	ssyncadd.s32 $0xFFFFFF80;
	s10 =	sadd.s32 s1, s10  }
0x14f: {  	[hbm4b:s10+s28] =	stream.strided.scatter [tilespmem:s6], [sflag:$0x4], $0x400, s16, s28, $0x38;
	[tilespmem:$0x1F850] =	vst v63  }
0x150: {  	_ =	swait.ge [sflag:s4], $0x400  }
0x151: {  	[sflag:s4] =	ssyncset.done $0x0  }
0x152: {  	[sflag:s4] =	ssyncadd.s32 $0xFFFFFC00  }
0x153: {  	_ =	swait.ge [sflag:s25], $0x7A0  }
0x154: {  	[sflag:s25] =	ssyncset.done $0x0  }
0x155: {  	[sflag:s25] =	ssyncadd.s32 $0xFFFFF860  }
0x156: {  	_ =	swait.ge [sflag:s25], $0x7A0  }
0x157: {  	[sflag:s25] =	ssyncset.done $0x0  }
0x158: {  	[sflag:s25] =	ssyncadd.s32 $0xFFFFF860  }
0x159: {  	_ =	swait.ge [sflag:s25], $0x7A0  }
0x15a: {  	[sflag:s25] =	ssyncset.done $0x0  }
0x15b: {  	[sflag:s25] =	ssyncadd.s32 $0xFFFFF860  }
0x15c: {  	_ =	swait.ge [sflag:s25], $0x7A0  }
0x15d: {  	p2 =	seq.s32 s5, $0x780;
	[sflag:s25] =	ssyncset.done $0x0  }
0x15e: {  	p3 =	sne.s32 @!p2 s9, $0xF;
	s1 =	simm.s32 @!p0 $0x2;
	[sflag:s25] =	ssyncadd.s32 $0xFFFFF860  }
0x15f: {  	p3 =	por p3, p2;
	_ =	swait.ge @!p0 [sflag:s1], $0x50  }
0x160: {  	s20 =	simm.s32 @!p2 $0x10;
	s17 =	simm.s32 @!p3 $0x1;
	[sflag:s1] =	ssyncset.done @!p0 $0x0  }
0x161: {  	s18 =	simm.s32 @!p3 $0x80;
	s29 =	simm.s32 @!p2 $0x80;
	[sflag:s1] =	ssyncadd.s32 @!p0 $0xFFFFFFB0  }
0x162: {  	s19 =	sshrl.u32 @!p2 s12, $0x3;
	s10 =	sadd.s32 @!p2 $0x1, s2;
	[bflag:$0x0] =	sbarrier.arrive $0xFFFF  }
0x163: {  	s12 =	smov.u32 s26;
	s10 =	sshrl.u32 @!p2 s10, $0x3;
	s1 =	sld [smem:$0x7FB]  }
0x164: {  	s24 =	simm.s32 @!p2 $0x1;
	s15 =	smul.u32 @!p2 $0x7A1400, s10;
	s14 =	rddreg [dreg:$0xe]  }
0x165: {  	s10 =	smul.u32 @!p3 $0x1400, s10;
	s4 =	sld [smem:$0x7FD];
	s5 =	sadd.s32 @!p2 s5, s14  }
0x166: {  	s16 =	sld [smem:$0x7E1];
	s5 =	sand.u32 @!p2 $0x380, s5;
	s14 =	sshrl.u32 @!p2 s1, $0x3  }
0x167: {  	s15 =	sor.u32 @!p2 s5, s15;
	s1 =	sshrl.u32 @!p2 s23, $0x3;
	s5 =	sor.u32 @!p3 s5, s10  }
0x168: {  	s6 =	sshrl.u32 @!p3 s4, $0x3;
	s4 =	smov.u32 s3;
	s15 =	sshrl.u32 @!p2 s15, $0x3  }
0x169: {  	s3 =	smov.u32 s23;
	s23 =	smov.u32 s21;
	s15 =	sadd.s32 @!p2 s8, s15  }
0x16a: {  	s7 =	sadd.s32 @!p2 s26, s15;
	s26 =	smov.u32 s8;
	s8 =	sadd.s32 @!p2 s11, s15  }
0x16b: {  	s9 =	sadd.s32 @!p2 s21, s15;
	s21 =	smov.u32 s11;
	s11 =	sld [smem:$0x7FC]  }
0x16c: {  	s10 =	simm.s32 @!p3 $0x10;
	s15 =	sadd.s32 @!p2 s13, s15;
	s13 =	sld [smem:$0x7FA]  }
0x16d: {  	[spmem:s1@s20], [sflag:s16] =	dma.strided @!p2 [hbm:s7@s29], $0x7A0, s24, $0x10   }
0x16e: {  	[spmem:s14@s20], [sflag:s16] =	dma.strided @!p2 [hbm:s8@s29], $0x7A0, s24, $0x10   }
0x16f: {  	s5 =	sshrl.u32 @!p3 s5, $0x3;
	s8 =	smov.u32 s26;
	s26 =	smov.u32 s12  }
0x170: {  	s11 =	sshrl.u32 @!p2 s11, $0x3;
	s5 =	sadd.s32 @!p3 s13, s5;
	s12 =	sld [smem:$0x7F8]  }
0x171: {  	[spmem:s11@s20], [sflag:s16] =	dma.strided @!p2 [hbm:s9@s29], $0x7A0, s24, $0x10   }
0x172: {  	[spmem:s19@s20], [sflag:s16] =	dma.strided @!p2 [hbm:s15@s29], $0x7A0, s24, $0x10   }
0x173: {  	[spmem:s6@s10], [sflag:s16] =	dma.strided @!p3 [hbm:s5@s18], $0x50, s17, $0x10   }
0x174: {  	s0 =	sadd.s32 $0x80, s0;
	s17 =	sld [smem:$0x7E7]  }
0x175: {  	p1 =	sne.s32 s0, $0x800;
	s7 =	simm.s32 $0x400;
	s5 =	sld [smem:$0x7E8]  }
0x176: {  	s11 =	smov.u32 s21;
	s21 =	smov.u32 s23;
	s18 =	rddreg [dreg:$0x8]  }
0x177: {  	s23 =	smov.u32 s3;
	s19 =	simm.s32 $0xC00;
	s15 =	sld [smem:$0x7E9]  }
.Ltmp0:
0x178: {  	s20 =	simm.s32 $0x400;
	s14 =	sld [smem:$0x7F7];
	(pc) =	sbr.rel @p1 .LBB2_2-.Ltmp0, $4  }
0x179: {  	[tilespmem:s19], [sflag:$0x3] =	stream.indirect.gather [spmem:s18], $0x1, s20, s28, $0xb8;
	[tilespmem:$0x1F850] =	vst v63  }
0x17a: {  	s3 =	smov.u32 s4;
	s9 =	stileid.u32;
	s10 =	sld [smem:$0x7F5]  }
0x17b: {  	[tilespmem:s5], [sflag:$0x3] =	stream.indirect.gather [spmem:s18], $0x1, s17, s28, $0xb8;
	[tilespmem:$0x1F850] =	vst v63  }
0x17c: {  	s24 =	simm.s32 $0x0;
	s29 =	simm.s32 $0xC00;
	s17 =	sld [smem:$0x7EB]  }
0x17d: {  	s0 =	sld [smem:$0x7F2]  }
0x17e: {  	s1 =	sld [smem:$0x7EF]  }
0x17f: {  	s2 =	sld [smem:$0x7ED]  }
0x180: {  	s5 =	sld [smem:$0x7EC]  }
0x181: {  	s4 =	rddreg [dreg:$0x8]  }
0x182: {  	[tilespmem:s17], [sflag:$0x3] =	stream.indirect.gather [spmem:s4], $0x1, s15, s28, $0xb8;
	[tilespmem:$0x1F850] =	vst v63  }
0x183: {  	s6 =	sld [smem:$0x7EE]  }
0x184: {  	[tilespmem:s2], [sflag:$0x3] =	stream.indirect.gather [spmem:s4], $0x1, s5, s28, $0xb8;
	[tilespmem:$0x1F850] =	vst v63  }
0x185: {  	s15 =	sld [smem:$0x7F0]  }
0x186: {  	[tilespmem:s1], [sflag:$0x3] =	stream.indirect.gather [spmem:s4], $0x1, s6, s28, $0xb8;
	[tilespmem:$0x1F850] =	vst v63  }
0x187: {  	s16 =	sld [smem:$0x7F4]  }
0x188: {  	[tilespmem:s0], [sflag:$0x3] =	stream.indirect.gather [spmem:s4], $0x1, s15, s28, $0xb8;
	[tilespmem:$0x1F850] =	vst v63  }
0x189: {  	s17 =	sld [smem:$0x7F6]  }
0x18a: {  	[tilespmem:s10], [sflag:$0x3] =	stream.indirect.gather [spmem:s4], $0x1, s16, s28, $0xb8;
	[tilespmem:$0x1F850] =	vst v63  }
0x18b: {  	_ = 	snop  }
0x18c: {  	[tilespmem:s14], [sflag:$0x3] =	stream.indirect.gather [spmem:s4], $0x1, s17, s28, $0xb8;
	[tilespmem:$0x1F850] =	vst v63  }
0x18d: {  	_ =	swait.ge [sflag:s30], $0x80  }
0x18e: {  	[sflag:s30] =	ssyncset.done $0x0  }
0x18f: {  	[sflag:s30] =	ssyncadd.s32 $0xFFFFFF80  }
0x190: {  	_ =	swait.ge [sflag:s30], $0x80  }
0x191: {  	[sflag:s30] =	ssyncset.done $0x0  }
0x192: {  	[sflag:s30] =	ssyncadd.s32 $0xFFFFFF80  }
0x193: {  	_ =	swait.ge [sflag:s30], $0x80  }
0x194: {  	[sflag:s30] =	ssyncset.done $0x0  }
0x195: {  	[sflag:s30] =	ssyncadd.s32 $0xFFFFFF80  }
0x196: {  	_ =	swait.ge [sflag:s30], $0x80  }
0x197: {  	[sflag:s30] =	ssyncset.done $0x0  }
0x198: {  	[sflag:s30] =	ssyncadd.s32 $0xFFFFFF80  }
0x199: {  	_ =	swait.ge [sflag:s30], $0x80  }
0x19a: {  	[sflag:s30] =	ssyncset.done $0x0  }
0x19b: {  	[sflag:s30] =	ssyncadd.s32 $0xFFFFFF80  }
0x19c: {  	_ =	swait.ge [sflag:s30], $0x80  }
0x19d: {  	[sflag:s30] =	ssyncset.done $0x0  }
0x19e: {  	[sflag:s30] =	ssyncadd.s32 $0xFFFFFF80  }
0x19f: {  	_ =	swait.ge [sflag:s30], $0x80  }
0x1a0: {  	[sflag:s30] =	ssyncset.done $0x0  }
0x1a1: {  	[sflag:s30] =	ssyncadd.s32 $0xFFFFFF80  }
0x1a2: {  	_ =	swait.ge [sflag:s30], $0x80  }
0x1a3: {  	s19 =	sld [smem:$0x7E2]  }
0x1a4: {  	s18 =	rddreg [dreg:$0xd]  }
0x1a5: {  	[sflag:s30] =	ssyncset.done $0x0;
	s0 =	sadd.s32 s18, s22  }
0x1a6: {  	s20 =	simm.s32 $0x4;
	[sflag:s30] =	ssyncadd.s32 $0xFFFFFF80;
	s0 =	sadd.s32 s19, s0  }
0x1a7: {  	[hbm4b:s0+s28] =	stream.strided.scatter [tilespmem:s29], [sflag:$0x4], $0x400, s7, s28, $0x38;
	[tilespmem:$0x1F850] =	vst v63  }
0x1a8: {  	_ =	swait.ge [sflag:s20], $0x400  }
0x1a9: {  	s22 =	sld [smem:$0x7DF]  }
0x1aa: {  	s25 =	sld [smem:$0x7F3];
	_ =	sdelay $0x1  }
0x1ab: {  	s2 =	sadd.s32 $0x1, s22  }
0x1ac: {  	p1 =	sne.s32 s2, s25  }
.Ltmp1:
0x1ad: {  	_ = 	snop;
	(pc) =	sbr.rel @p1 .LBB2_1-.Ltmp1, $4  }
0x1ae: {  	s7 =	sld [smem:$0x7F9]  }
0x1af: {  	s6 =	simm.s32 $0x1;
	s15 =	simm.s32 $0x10;
	s4 =	sld [smem:$0x7FB]  }
0x1b0: {  	s17 =	simm.s32 $0x800;
	[sflag:s20] =	ssyncset.done $0x0;
	s13 =	sld [smem:$0x7FC]  }
0x1b1: {  	s19 =	sld [smem:$0x7FD];
	[sflag:s20] =	ssyncadd.s32 $0xFFFFFC00;
	s25 =	simm.s32 $0x2  }
0x1b2: {  	_ =	sfence.sel $0x180000  }
0x1b3: {  	[bflag:$0x0] =	sbarrier.arrive $0xFFFF  }
0x1b4: {  	_ =	strace $0x90000047  }
0x1b5: {  	[bflag:$0x2] =	sbarrier.arrive $0xFFFF  }
0x1b6: {  	p0 =	sne.s32 s9, $0x0;
	s0 =	rddreg [dreg:$0x9]  }
0x1b7: {  	s0 =	sadd.s32 @!p0 $0x100000, s0  }
0x1b8: {  	[sflag:s0] =	ssyncadd.tile.s32 @!p0 $0x1;
	_ =	shalt  }
.Lfunc_end2:
_tile_overlayer_lowered:
.L_overlay_start_2:
0x1b9: {  	(tag) =	ssettag $0x2  }
0x1ba: {  	s0 =	rddreg [dreg:$0x0];
	s2 =	stileid.u32  }
0x1bb: {  	s1 =	rddreg [dreg:$0x1];
	p0 =	sne.s32 s2, $0x0  }
0x1bc: {  	s3 =	rddreg [dreg:$0x2];
	[bflag:$0x3] =	sbarrier.arrive $0xFFFF;
	s2 =	simm.s32 @!p0 $0x1C04  }
0x1bd: {  	[timem:s3], [sflag:s2] =	dma.local @!p0 [hbm:s0], s1  }
0x1be: {  	s0 =	simm.s32 @!p0 $0x4  }
0x1bf: {  	_ =	swait.ge @!p0 [sflag:s0], s1  }
0x1c0: {  	s1 =	ssub.s32 @!p0 $0x0, s1;
	[sflag:s0] =	ssyncset.done @!p0 $0x0  }
0x1c1: {  	[sflag:s0] =	ssyncadd.s32 @!p0 s1  }
0x1c2: {  	[bflag:$0x3] =	sbarrier.arrive $0xFFFF  }
0x1c3: {  	_ =	shalt  }

</sc_bundles>
